<compile_context>
chip_gen: v7x
topology: tpu7x:2x2x1
jax: 0.10.2.dev20260603
libtpu: 0.0.44.dev20260713+nightly
codegen_flags: <defaults>
</compile_context>

<pallas_src>
import functools

import jax
import jax.numpy as jnp
from jax import lax
from jax.experimental import pallas as pl
from jax.experimental.pallas import tpu as pltpu
from jax.experimental.pallas import tpu_sc as plsc

_C = 384
_MUL = 1.0 / 40.0
_T_MAX = 2.0
_ROWS = 4096
_NW = 32
_RPW = _ROWS // _NW
_CHUNK = 16
_NCH = _RPW // _CHUNK

_mesh = plsc.VectorSubcoreMesh(core_axis_name="c", subcore_axis_name="s")


@functools.partial(
    pl.kernel,
    out_type=jax.ShapeDtypeStruct((_ROWS, 2 * _C), jnp.float32),
    mesh=_mesh,
    scratch_types=[
        pltpu.VMEM((_CHUNK, 2 * _C), jnp.float32),
        pltpu.VMEM((_CHUNK, 2 * _C), jnp.float32),
        pltpu.VMEM((_CHUNK, 2 * _C), jnp.float32),
    ],
)
def _sc_body(t1_hbm, t2_hbm, out_hbm, b1, b2, bo):
    wid = lax.axis_index("s") * 2 + lax.axis_index("c")
    base = wid * _RPW
    for ch in range(_NCH):
        off = base + ch * _CHUNK
        pltpu.sync_copy(t1_hbm.at[pl.ds(off, _CHUNK)], b1)
        pltpu.sync_copy(t2_hbm.at[pl.ds(off, _CHUNK)], b2)

        def row(r, carry):
            def col(j, carry2):
                s = j * 16
                alo = b1[r, pl.ds(s, 16)]
                ahi = b1[r, pl.ds(s + _C, 16)]
                blo = b2[r, pl.ds(s, 16)]
                bhi = b2[r, pl.ds(s + _C, 16)]
                d = ((alo - ahi) + (blo - bhi)) * _MUL
                bo[r, pl.ds(s, 16)] = jnp.minimum(d + _T_MAX, _T_MAX)
                bo[r, pl.ds(s + _C, 16)] = jnp.minimum(_T_MAX - d, _T_MAX)
                return carry2

            return lax.fori_loop(0, _C // 16, col, carry)

        lax.fori_loop(0, _CHUNK, row, 0)
        pltpu.sync_copy(bo, out_hbm.at[pl.ds(off, _CHUNK)])


def kernel(tj1, tj2):
    t1 = jnp.transpose(tj1, (0, 2, 3, 1)).reshape(_ROWS, 2 * _C)
    t2 = jnp.transpose(tj2, (0, 2, 3, 1)).reshape(_ROWS, 2 * _C)
    out = _sc_body(t1, t2)
    return jnp.transpose(out.reshape(64, 64, 2 * _C), (2, 0, 1))

# --- scband reference (transcript-rebuilt; emitter-appended) ---
"""Pipeline reference for scband-add-snnlayer-all-47193100649054 (READ-ONLY COPY).

The authoritative reference and input builder live on the scoring server;
editing this copy changes nothing except your own understanding.
"""

import jax, jax.numpy as jnp
import numpy as np

L = 20
EPS_V = 1e-05
# Constants that the torch module computes in set_params(); forward() requires them.
# Chosen for t_min=0, unit input ranges, in_scalar1=in_scalar2=1, bias B=0:
T_MIN = 0.0
T_MAX = 2.0
MULT = (T_MAX - T_MIN) * L  # 40.0
MUL1 = 1.0 / MULT
MUL2 = 1.0 / MULT
B = 0.0


def setup_inputs(seed: int = 0) -> dict:
    key = jax.random.key(seed)
    k1, k2 = jax.random.split(key)
    tj1 = jax.random.normal(k1, (1, 768, 64, 64), dtype=jnp.float32)
    tj2 = jax.random.normal(k2, (1, 768, 64, 64), dtype=jnp.float32)
    return {"tj1": tj1, "tj2": tj2}


def _snn_forward(tj1, tj2):
    C = tj1.shape[1] // 2
    threshold = T_MAX - T_MIN  # D_i = 0
    # --- detached spike-ordering computation (torch uses .detach().clone()) ---
    stacked0 = jnp.stack([tj1[0, :C], tj1[0, C:], tj2[0, :C], tj2[0, C:]], axis=0)
    stacked0 = jax.lax.stop_gradient(stacked0)
    min_times = []
    masks = []
    s = stacked0
    for i in range(4):
        min_idx = jnp.argmin(s, axis=0)                              # [C,X,Y]
        min_vals = jnp.take_along_axis(s, min_idx[None], axis=0)[0]  # gather min times
        min_times.append(min_vals)
        fresh = (jnp.arange(4)[:, None, None, None] == min_idx[None])  # scatter-set True at argmin
        if i != 0:
            masks.append(jnp.logical_or(fresh, masks[-1]))
        else:
            masks.append(fresh)
        s = jnp.where(fresh, jnp.inf, s)
    min_times.append(jnp.full(min_times[0].shape, T_MAX, dtype=min_times[0].dtype))
    min_times = jnp.stack(min_times, axis=0)  # [5,C,X,Y]
    vect = -jnp.array([MUL1, -MUL1, MUL2, -MUL2], dtype=jnp.float32)
    scale = 0.0 if T_MAX == T_MIN else B / (MULT * (T_MAX - T_MIN))
    V_plus = jnp.zeros(min_times[0].shape, dtype=jnp.float32) + scale * (min_times[0] - T_MIN)
    V_minus = jnp.zeros(min_times[0].shape, dtype=jnp.float32) + scale * (min_times[0] - T_MIN)
    for i in range(4):
        duration = min_times[i + 1] - min_times[i]
        m = masks[i] if i == 0 else jnp.logical_or(masks[i], masks[i - 1])
        # (mask.T @ vect).T : [4,C,X,Y] -> [Y,X,C,4] @ [4] -> [Y,X,C] -> [C,X,Y]
        term = jnp.transpose(jnp.transpose(m.astype(jnp.float32)) @ vect)
        V_plus = V_plus + term * duration + scale * duration
        V_minus = V_minus - term * duration + scale * duration
    # --- differentiable output path ---
    ti = jnp.concatenate([
        (tj1[0, :C] - tj1[0, C:]) * MUL1 + (tj2[0, :C] - tj2[0, C:]) * MUL2,
        (tj1[0, C:] - tj1[0, :C]) * MUL1 + (tj2[0, C:] - tj2[0, :C]) * MUL2,
    ], axis=0) + B / MULT * 1 + threshold + T_MIN
    ti = jnp.where(ti < T_MAX, ti, T_MAX)
    return ti


def reference(tj1, tj2):
    return _snn_forward(tj1, tj2)

if __name__ == "__main__":
    import jax
    _d = setup_inputs()
    print(jax.jit(kernel)(*tuple(_d.values())))

</pallas_src>

<mosaic_0001>
#map = affine_map<(d0, d1) -> (0, 0)>
module attributes {stable_mosaic.version = 14 : i64} {
  func.func @_sc_body(%arg0: i32, %arg1: i32, %arg2: memref<4096x768xf32, #tpu.memory_space<hbm>>, %arg3: memref<4096x768xf32, #tpu.memory_space<hbm>>, %arg4: memref<4096x768xf32, #tpu.memory_space<hbm>>, %arg5: memref<16x768xf32, #tpu.memory_space<vmem>>, %arg6: memref<16x768xf32, #tpu.memory_space<vmem>>, %arg7: memref<16x768xf32, #tpu.memory_space<vmem>>) attributes {dimension_semantics = [#tpu.dimension_semantics<core_parallel>, #tpu.dimension_semantics<subcore_parallel>], iteration_bounds = array<i64: 2, 16>, scalar_prefetch = 0 : i64, scratch_operands = 3 : i64, tpu.core_type = #tpu.core_type<sc_vector_subcore>, window_params = [{transform_indices = #map}, {transform_indices = #map}, {transform_indices = #map}]} {
    %mul3A = arith.constant 2 : i32
    %mul3A_0 = arith.muli %arg1, %mul3A : i32
    %add3A = arith.addi %mul3A_0, %arg0 : i32
    %mul3A_1 = arith.constant 128 : i32
    %mul3A_2 = arith.muli %add3A, %mul3A_1 : i32
    %add3A_3 = arith.constant 0 : i32
    %add3A_4 = arith.addi %mul3A_2, %add3A_3 : i32
    "tpu.region"() ({
      %run_scoped3A = tpu.sem_alloc : memref<!tpu.dma_semaphore, #tpu.memory_space<semaphore_mem>>
      %dma_start3A = arith.constant 0 : i32
      %dma_start3A_66 = tpu.memref_slice %arg2[%add3A_4, %dma_start3A] : memref<4096x768xf32, #tpu.memory_space<hbm>> -> memref<16x768xf32, #tpu.memory_space<hbm>>
      %dma_start3A_67 = arith.constant 0 : i32
      %dma_start3A_68 = tpu.memref_slice %arg2[%add3A_4, %dma_start3A_67] : memref<4096x768xf32, #tpu.memory_space<hbm>> -> memref<16x768xf32, #tpu.memory_space<hbm>>
      tpu.enqueue_dma source(%dma_start3A_68 : memref<16x768xf32, #tpu.memory_space<hbm>>) target(%arg5 : memref<16x768xf32, #tpu.memory_space<vmem>>) target_semaphore(%run_scoped3A : memref<!tpu.dma_semaphore, #tpu.memory_space<semaphore_mem>>)
      %dma_wait3A = arith.constant 0 : i32
      %dma_wait3A_69 = tpu.memref_slice %arg2[%add3A_4, %dma_wait3A] : memref<4096x768xf32, #tpu.memory_space<hbm>> -> memref<16x768xf32, #tpu.memory_space<hbm>>
      %dma_wait3A_70 = arith.constant 0 : i32
      %dma_wait3A_71 = tpu.memref_slice %arg2[%add3A_4, %dma_wait3A_70] : memref<4096x768xf32, #tpu.memory_space<hbm>> -> memref<16x768xf32, #tpu.memory_space<hbm>>
      tpu.wait_dma2 semaphore(%run_scoped3A : memref<!tpu.dma_semaphore, #tpu.memory_space<semaphore_mem>>) src(%dma_wait3A_71 : memref<16x768xf32, #tpu.memory_space<hbm>>) dst(%arg5 : memref<16x768xf32, #tpu.memory_space<vmem>>)
      tpu.yield
    }) : () -> ()
    "tpu.region"() ({
      %run_scoped3A = tpu.sem_alloc : memref<!tpu.dma_semaphore, #tpu.memory_space<semaphore_mem>>
      %dma_start3A = arith.constant 0 : i32
      %dma_start3A_66 = tpu.memref_slice %arg3[%add3A_4, %dma_start3A] : memref<4096x768xf32, #tpu.memory_space<hbm>> -> memref<16x768xf32, #tpu.memory_space<hbm>>
      %dma_start3A_67 = arith.constant 0 : i32
      %dma_start3A_68 = tpu.memref_slice %arg3[%add3A_4, %dma_start3A_67] : memref<4096x768xf32, #tpu.memory_space<hbm>> -> memref<16x768xf32, #tpu.memory_space<hbm>>
      tpu.enqueue_dma source(%dma_start3A_68 : memref<16x768xf32, #tpu.memory_space<hbm>>) target(%arg6 : memref<16x768xf32, #tpu.memory_space<vmem>>) target_semaphore(%run_scoped3A : memref<!tpu.dma_semaphore, #tpu.memory_space<semaphore_mem>>)
      %dma_wait3A = arith.constant 0 : i32
      %dma_wait3A_69 = tpu.memref_slice %arg3[%add3A_4, %dma_wait3A] : memref<4096x768xf32, #tpu.memory_space<hbm>> -> memref<16x768xf32, #tpu.memory_space<hbm>>
      %dma_wait3A_70 = arith.constant 0 : i32
      %dma_wait3A_71 = tpu.memref_slice %arg3[%add3A_4, %dma_wait3A_70] : memref<4096x768xf32, #tpu.memory_space<hbm>> -> memref<16x768xf32, #tpu.memory_space<hbm>>
      tpu.wait_dma2 semaphore(%run_scoped3A : memref<!tpu.dma_semaphore, #tpu.memory_space<semaphore_mem>>) src(%dma_wait3A_71 : memref<16x768xf32, #tpu.memory_space<hbm>>) dst(%arg6 : memref<16x768xf32, #tpu.memory_space<vmem>>)
      tpu.yield
    }) : () -> ()
    %scan3A = arith.constant 0 : i32
    %scan3A_5 = arith.constant 0 : i32
    %scan3A_6 = arith.constant 16 : i32
    %scan3A_7 = arith.addi %scan3A_5, %scan3A_6 : i32
    %scan3A_8 = arith.constant 1 : i32
    scf.for %scan3A_66 = %scan3A_5 to %scan3A_7 step %scan3A_8  : i32 {
      %scan3A_67 = arith.constant 0 : i32
      %scan3A_68 = arith.constant 24 : i32
      %scan3A_69 = arith.addi %scan3A_67, %scan3A_68 : i32
      %scan3A_70 = arith.constant 1 : i32
      scf.for %scan3A_72 = %scan3A_67 to %scan3A_69 step %scan3A_70  : i32 {
        %mul3A_73 = arith.constant 16 : i32
        %mul3A_74 = arith.muli %scan3A_72, %mul3A_73 : i32
        %get3A = arith.index_cast %scan3A_66 : i32 to index
        %get3A_75 = arith.index_cast %mul3A_74 : i32 to index
        %get3A_76 = tpu.vector_load %arg5[%get3A, %get3A_75] {strides = array<i32>} : memref<16x768xf32, #tpu.memory_space<vmem>>, vector<1x16xf32>,
        %get3A_77 = vector.shape_cast %get3A_76 : vector<1x16xf32> to vector<16xf32>
        %add3A_78 = arith.constant 384 : i32
        %add3A_79 = arith.addi %mul3A_74, %add3A_78 : i32
        %get3A_80 = arith.index_cast %scan3A_66 : i32 to index
        %get3A_81 = arith.index_cast %add3A_79 : i32 to index
        %get3A_82 = tpu.vector_load %arg5[%get3A_80, %get3A_81] {strides = array<i32>} : memref<16x768xf32, #tpu.memory_space<vmem>>, vector<1x16xf32>,
        %get3A_83 = vector.shape_cast %get3A_82 : vector<1x16xf32> to vector<16xf32>
        %get3A_84 = arith.index_cast %scan3A_66 : i32 to index
        %get3A_85 = arith.index_cast %mul3A_74 : i32 to index
        %get3A_86 = tpu.vector_load %arg6[%get3A_84, %get3A_85] {strides = array<i32>} : memref<16x768xf32, #tpu.memory_space<vmem>>, vector<1x16xf32>,
        %get3A_87 = vector.shape_cast %get3A_86 : vector<1x16xf32> to vector<16xf32>
        %add3A_88 = arith.constant 384 : i32
        %add3A_89 = arith.addi %mul3A_74, %add3A_88 : i32
        %get3A_90 = arith.index_cast %scan3A_66 : i32 to index
        %get3A_91 = arith.index_cast %add3A_89 : i32 to index
        %get3A_92 = tpu.vector_load %arg6[%get3A_90, %get3A_91] {strides = array<i32>} : memref<16x768xf32, #tpu.memory_space<vmem>>, vector<1x16xf32>,
        %get3A_93 = vector.shape_cast %get3A_92 : vector<1x16xf32> to vector<16xf32>
        %sub3A = arith.subf %get3A_77, %get3A_83 : vector<16xf32>
        %sub3A_94 = arith.subf %get3A_87, %get3A_93 : vector<16xf32>
        %add3A_95 = arith.addf %sub3A, %sub3A_94 : vector<16xf32>
        %mul3A_96 = arith.constant 2.500000e-02 : f32
        %mul3A_97 = vector.broadcast %mul3A_96 : f32 to vector<16xf32>
        %mul3A_98 = arith.mulf %add3A_95, %mul3A_97 : vector<16xf32>
        %add3A_99 = arith.constant 2.000000e+00 : f32
        %add3A_100 = vector.broadcast %add3A_99 : f32 to vector<16xf32>
        %add3A_101 = arith.addf %mul3A_98, %add3A_100 : vector<16xf32>
        %min3A = arith.constant 2.000000e+00 : f32
        %min3A_102 = vector.broadcast %min3A : f32 to vector<16xf32>
        %min3A_103 = arith.minimumf %add3A_101, %min3A_102 : vector<16xf32>
        %swap3A = arith.index_cast %scan3A_66 : i32 to index
        %swap3A_104 = arith.index_cast %mul3A_74 : i32 to index
        %swap3A_105 = tpu.vector_load %arg7[%swap3A, %swap3A_104] {strides = array<i32>} : memref<16x768xf32, #tpu.memory_space<vmem>>, vector<1x16xf32>,
        %swap3A_106 = vector.shape_cast %swap3A_105 : vector<1x16xf32> to vector<16xf32>
        %swap3A_107 = vector.shape_cast %min3A_103 : vector<16xf32> to vector<1x16xf32>
        tpu.vector_store %arg7[%swap3A, %swap3A_104], %swap3A_107 {strides = array<i32>} : memref<16x768xf32, #tpu.memory_space<vmem>>, vector<1x16xf32>,
        %sub3A_108 = arith.constant 2.000000e+00 : f32
        %sub3A_109 = vector.broadcast %sub3A_108 : f32 to vector<16xf32>
        %sub3A_110 = arith.subf %sub3A_109, %mul3A_98 : vector<16xf32>
        %min3A_111 = arith.constant 2.000000e+00 : f32
        %min3A_112 = vector.broadcast %min3A_111 : f32 to vector<16xf32>
        %min3A_113 = arith.minimumf %sub3A_110, %min3A_112 : vector<16xf32>
        %add3A_114 = arith.constant 384 : i32
        %add3A_115 = arith.addi %mul3A_74, %add3A_114 : i32
        %swap3A_116 = arith.index_cast %scan3A_66 : i32 to index
        %swap3A_117 = arith.index_cast %add3A_115 : i32 to index
        %swap3A_118 = tpu.vector_load %arg7[%swap3A_116, %swap3A_117] {strides = array<i32>} : memref<16x768xf32, #tpu.memory_space<vmem>>, vector<1x16xf32>,
        %swap3A_119 = vector.shape_cast %swap3A_118 : vector<1x16xf32> to vector<16xf32>
        %swap3A_120 = vector.shape_cast %min3A_113 : vector<16xf32> to vector<1x16xf32>
        tpu.vector_store %arg7[%swap3A_116, %swap3A_117], %swap3A_120 {strides = array<i32>} : memref<16x768xf32, #tpu.memory_space<vmem>>, vector<1x16xf32>,
      }
      %scan3A_71 = arith.constant 24 : i32
    }
    %scan3A_9 = arith.constant 16 : i32
    "tpu.region"() ({
      %run_scoped3A = tpu.sem_alloc : memref<!tpu.dma_semaphore, #tpu.memory_space<semaphore_mem>>
      %dma_start3A = arith.constant 0 : i32
      %dma_start3A_66 = tpu.memref_slice %arg4[%add3A_4, %dma_start3A] : memref<4096x768xf32, #tpu.memory_space<hbm>> -> memref<16x768xf32, #tpu.memory_space<hbm>>
      %dma_start3A_67 = arith.constant 0 : i32
      %dma_start3A_68 = tpu.memref_slice %arg4[%add3A_4, %dma_start3A_67] : memref<4096x768xf32, #tpu.memory_space<hbm>> -> memref<16x768xf32, #tpu.memory_space<hbm>>
      tpu.enqueue_dma source(%arg7 : memref<16x768xf32, #tpu.memory_space<vmem>>) target(%dma_start3A_68 : memref<16x768xf32, #tpu.memory_space<hbm>>) target_semaphore(%run_scoped3A : memref<!tpu.dma_semaphore, #tpu.memory_space<semaphore_mem>>)
      %dma_wait3A = arith.constant 0 : i32
      %dma_wait3A_69 = tpu.memref_slice %arg4[%add3A_4, %dma_wait3A] : memref<4096x768xf32, #tpu.memory_space<hbm>> -> memref<16x768xf32, #tpu.memory_space<hbm>>
      %dma_wait3A_70 = arith.constant 0 : i32
      %dma_wait3A_71 = tpu.memref_slice %arg4[%add3A_4, %dma_wait3A_70] : memref<4096x768xf32, #tpu.memory_space<hbm>> -> memref<16x768xf32, #tpu.memory_space<hbm>>
      tpu.wait_dma2 semaphore(%run_scoped3A : memref<!tpu.dma_semaphore, #tpu.memory_space<semaphore_mem>>) src(%arg7 : memref<16x768xf32, #tpu.memory_space<vmem>>) dst(%dma_wait3A_71 : memref<16x768xf32, #tpu.memory_space<hbm>>)
      tpu.yield
    }) : () -> ()
    %add3A_10 = arith.constant 16 : i32
    %add3A_11 = arith.addi %mul3A_2, %add3A_10 : i32
    "tpu.region"() ({
      %run_scoped3A = tpu.sem_alloc : memref<!tpu.dma_semaphore, #tpu.memory_space<semaphore_mem>>
      %dma_start3A = arith.constant 0 : i32
      %dma_start3A_66 = tpu.memref_slice %arg2[%add3A_11, %dma_start3A] : memref<4096x768xf32, #tpu.memory_space<hbm>> -> memref<16x768xf32, #tpu.memory_space<hbm>>
      %dma_start3A_67 = arith.constant 0 : i32
      %dma_start3A_68 = tpu.memref_slice %arg2[%add3A_11, %dma_start3A_67] : memref<4096x768xf32, #tpu.memory_space<hbm>> -> memref<16x768xf32, #tpu.memory_space<hbm>>
      tpu.enqueue_dma source(%dma_start3A_68 : memref<16x768xf32, #tpu.memory_space<hbm>>) target(%arg5 : memref<16x768xf32, #tpu.memory_space<vmem>>) target_semaphore(%run_scoped3A : memref<!tpu.dma_semaphore, #tpu.memory_space<semaphore_mem>>)
      %dma_wait3A = arith.constant 0 : i32
      %dma_wait3A_69 = tpu.memref_slice %arg2[%add3A_11, %dma_wait3A] : memref<4096x768xf32, #tpu.memory_space<hbm>> -> memref<16x768xf32, #tpu.memory_space<hbm>>
      %dma_wait3A_70 = arith.constant 0 : i32
      %dma_wait3A_71 = tpu.memref_slice %arg2[%add3A_11, %dma_wait3A_70] : memref<4096x768xf32, #tpu.memory_space<hbm>> -> memref<16x768xf32, #tpu.memory_space<hbm>>
      tpu.wait_dma2 semaphore(%run_scoped3A : memref<!tpu.dma_semaphore, #tpu.memory_space<semaphore_mem>>) src(%dma_wait3A_71 : memref<16x768xf32, #tpu.memory_space<hbm>>) dst(%arg5 : memref<16x768xf32, #tpu.memory_space<vmem>>)
      tpu.yield
    }) : () -> ()
    "tpu.region"() ({
      %run_scoped3A = tpu.sem_alloc : memref<!tpu.dma_semaphore, #tpu.memory_space<semaphore_mem>>
      %dma_start3A = arith.constant 0 : i32
      %dma_start3A_66 = tpu.memref_slice %arg3[%add3A_11, %dma_start3A] : memref<4096x768xf32, #tpu.memory_space<hbm>> -> memref<16x768xf32, #tpu.memory_space<hbm>>
      %dma_start3A_67 = arith.constant 0 : i32
      %dma_start3A_68 = tpu.memref_slice %arg3[%add3A_11, %dma_start3A_67] : memref<4096x768xf32, #tpu.memory_space<hbm>> -> memref<16x768xf32, #tpu.memory_space<hbm>>
      tpu.enqueue_dma source(%dma_start3A_68 : memref<16x768xf32, #tpu.memory_space<hbm>>) target(%arg6 : memref<16x768xf32, #tpu.memory_space<vmem>>) target_semaphore(%run_scoped3A : memref<!tpu.dma_semaphore, #tpu.memory_space<semaphore_mem>>)
      %dma_wait3A = arith.constant 0 : i32
      %dma_wait3A_69 = tpu.memref_slice %arg3[%add3A_11, %dma_wait3A] : memref<4096x768xf32, #tpu.memory_space<hbm>> -> memref<16x768xf32, #tpu.memory_space<hbm>>
      %dma_wait3A_70 = arith.constant 0 : i32
      %dma_wait3A_71 = tpu.memref_slice %arg3[%add3A_11, %dma_wait3A_70] : memref<4096x768xf32, #tpu.memory_space<hbm>> -> memref<16x768xf32, #tpu.memory_space<hbm>>
      tpu.wait_dma2 semaphore(%run_scoped3A : memref<!tpu.dma_semaphore, #tpu.memory_space<semaphore_mem>>) src(%dma_wait3A_71 : memref<16x768xf32, #tpu.memory_space<hbm>>) dst(%arg6 : memref<16x768xf32, #tpu.memory_space<vmem>>)
      tpu.yield
    }) : () -> ()
    %scan3A_12 = arith.constant 0 : i32
    %scan3A_13 = arith.constant 0 : i32
    %scan3A_14 = arith.constant 16 : i32
    %scan3A_15 = arith.addi %scan3A_13, %scan3A_14 : i32
    %scan3A_16 = arith.constant 1 : i32
    scf.for %scan3A_66 = %scan3A_13 to %scan3A_15 step %scan3A_16  : i32 {
      %scan3A_67 = arith.constant 0 : i32
      %scan3A_68 = arith.constant 24 : i32
      %scan3A_69 = arith.addi %scan3A_67, %scan3A_68 : i32
      %scan3A_70 = arith.constant 1 : i32
      scf.for %scan3A_72 = %scan3A_67 to %scan3A_69 step %scan3A_70  : i32 {
        %mul3A_73 = arith.constant 16 : i32
        %mul3A_74 = arith.muli %scan3A_72, %mul3A_73 : i32
        %get3A = arith.index_cast %scan3A_66 : i32 to index
        %get3A_75 = arith.index_cast %mul3A_74 : i32 to index
        %get3A_76 = tpu.vector_load %arg5[%get3A, %get3A_75] {strides = array<i32>} : memref<16x768xf32, #tpu.memory_space<vmem>>, vector<1x16xf32>,
        %get3A_77 = vector.shape_cast %get3A_76 : vector<1x16xf32> to vector<16xf32>
        %add3A_78 = arith.constant 384 : i32
        %add3A_79 = arith.addi %mul3A_74, %add3A_78 : i32
        %get3A_80 = arith.index_cast %scan3A_66 : i32 to index
        %get3A_81 = arith.index_cast %add3A_79 : i32 to index
        %get3A_82 = tpu.vector_load %arg5[%get3A_80, %get3A_81] {strides = array<i32>} : memref<16x768xf32, #tpu.memory_space<vmem>>, vector<1x16xf32>,
        %get3A_83 = vector.shape_cast %get3A_82 : vector<1x16xf32> to vector<16xf32>
        %get3A_84 = arith.index_cast %scan3A_66 : i32 to index
        %get3A_85 = arith.index_cast %mul3A_74 : i32 to index
        %get3A_86 = tpu.vector_load %arg6[%get3A_84, %get3A_85] {strides = array<i32>} : memref<16x768xf32, #tpu.memory_space<vmem>>, vector<1x16xf32>,
        %get3A_87 = vector.shape_cast %get3A_86 : vector<1x16xf32> to vector<16xf32>
        %add3A_88 = arith.constant 384 : i32
        %add3A_89 = arith.addi %mul3A_74, %add3A_88 : i32
        %get3A_90 = arith.index_cast %scan3A_66 : i32 to index
        %get3A_91 = arith.index_cast %add3A_89 : i32 to index
        %get3A_92 = tpu.vector_load %arg6[%get3A_90, %get3A_91] {strides = array<i32>} : memref<16x768xf32, #tpu.memory_space<vmem>>, vector<1x16xf32>,
        %get3A_93 = vector.shape_cast %get3A_92 : vector<1x16xf32> to vector<16xf32>
        %sub3A = arith.subf %get3A_77, %get3A_83 : vector<16xf32>
        %sub3A_94 = arith.subf %get3A_87, %get3A_93 : vector<16xf32>
        %add3A_95 = arith.addf %sub3A, %sub3A_94 : vector<16xf32>
        %mul3A_96 = arith.constant 2.500000e-02 : f32
        %mul3A_97 = vector.broadcast %mul3A_96 : f32 to vector<16xf32>
        %mul3A_98 = arith.mulf %add3A_95, %mul3A_97 : vector<16xf32>
        %add3A_99 = arith.constant 2.000000e+00 : f32
        %add3A_100 = vector.broadcast %add3A_99 : f32 to vector<16xf32>
        %add3A_101 = arith.addf %mul3A_98, %add3A_100 : vector<16xf32>
        %min3A = arith.constant 2.000000e+00 : f32
        %min3A_102 = vector.broadcast %min3A : f32 to vector<16xf32>
        %min3A_103 = arith.minimumf %add3A_101, %min3A_102 : vector<16xf32>
        %swap3A = arith.index_cast %scan3A_66 : i32 to index
        %swap3A_104 = arith.index_cast %mul3A_74 : i32 to index
        %swap3A_105 = tpu.vector_load %arg7[%swap3A, %swap3A_104] {strides = array<i32>} : memref<16x768xf32, #tpu.memory_space<vmem>>, vector<1x16xf32>,
        %swap3A_106 = vector.shape_cast %swap3A_105 : vector<1x16xf32> to vector<16xf32>
        %swap3A_107 = vector.shape_cast %min3A_103 : vector<16xf32> to vector<1x16xf32>
        tpu.vector_store %arg7[%swap3A, %swap3A_104], %swap3A_107 {strides = array<i32>} : memref<16x768xf32, #tpu.memory_space<vmem>>, vector<1x16xf32>,
        %sub3A_108 = arith.constant 2.000000e+00 : f32
        %sub3A_109 = vector.broadcast %sub3A_108 : f32 to vector<16xf32>
        %sub3A_110 = arith.subf %sub3A_109, %mul3A_98 : vector<16xf32>
        %min3A_111 = arith.constant 2.000000e+00 : f32
        %min3A_112 = vector.broadcast %min3A_111 : f32 to vector<16xf32>
        %min3A_113 = arith.minimumf %sub3A_110, %min3A_112 : vector<16xf32>
        %add3A_114 = arith.constant 384 : i32
        %add3A_115 = arith.addi %mul3A_74, %add3A_114 : i32
        %swap3A_116 = arith.index_cast %scan3A_66 : i32 to index
        %swap3A_117 = arith.index_cast %add3A_115 : i32 to index
        %swap3A_118 = tpu.vector_load %arg7[%swap3A_116, %swap3A_117] {strides = array<i32>} : memref<16x768xf32, #tpu.memory_space<vmem>>, vector<1x16xf32>,
        %swap3A_119 = vector.shape_cast %swap3A_118 : vector<1x16xf32> to vector<16xf32>
        %swap3A_120 = vector.shape_cast %min3A_113 : vector<16xf32> to vector<1x16xf32>
        tpu.vector_store %arg7[%swap3A_116, %swap3A_117], %swap3A_120 {strides = array<i32>} : memref<16x768xf32, #tpu.memory_space<vmem>>, vector<1x16xf32>,
      }
      %scan3A_71 = arith.constant 24 : i32
    }
    %scan3A_17 = arith.constant 16 : i32
    "tpu.region"() ({
      %run_scoped3A = tpu.sem_alloc : memref<!tpu.dma_semaphore, #tpu.memory_space<semaphore_mem>>
      %dma_start3A = arith.constant 0 : i32
      %dma_start3A_66 = tpu.memref_slice %arg4[%add3A_11, %dma_start3A] : memref<4096x768xf32, #tpu.memory_space<hbm>> -> memref<16x768xf32, #tpu.memory_space<hbm>>
      %dma_start3A_67 = arith.constant 0 : i32
      %dma_start3A_68 = tpu.memref_slice %arg4[%add3A_11, %dma_start3A_67] : memref<4096x768xf32, #tpu.memory_space<hbm>> -> memref<16x768xf32, #tpu.memory_space<hbm>>
      tpu.enqueue_dma source(%arg7 : memref<16x768xf32, #tpu.memory_space<vmem>>) target(%dma_start3A_68 : memref<16x768xf32, #tpu.memory_space<hbm>>) target_semaphore(%run_scoped3A : memref<!tpu.dma_semaphore, #tpu.memory_space<semaphore_mem>>)
      %dma_wait3A = arith.constant 0 : i32
      %dma_wait3A_69 = tpu.memref_slice %arg4[%add3A_11, %dma_wait3A] : memref<4096x768xf32, #tpu.memory_space<hbm>> -> memref<16x768xf32, #tpu.memory_space<hbm>>
      %dma_wait3A_70 = arith.constant 0 : i32
      %dma_wait3A_71 = tpu.memref_slice %arg4[%add3A_11, %dma_wait3A_70] : memref<4096x768xf32, #tpu.memory_space<hbm>> -> memref<16x768xf32, #tpu.memory_space<hbm>>
      tpu.wait_dma2 semaphore(%run_scoped3A : memref<!tpu.dma_semaphore, #tpu.memory_space<semaphore_mem>>) src(%arg7 : memref<16x768xf32, #tpu.memory_space<vmem>>) dst(%dma_wait3A_71 : memref<16x768xf32, #tpu.memory_space<hbm>>)
      tpu.yield
    }) : () -> ()
    %add3A_18 = arith.constant 32 : i32
    %add3A_19 = arith.addi %mul3A_2, %add3A_18 : i32
    "tpu.region"() ({
      %run_scoped3A = tpu.sem_alloc : memref<!tpu.dma_semaphore, #tpu.memory_space<semaphore_mem>>
      %dma_start3A = arith.constant 0 : i32
      %dma_start3A_66 = tpu.memref_slice %arg2[%add3A_19, %dma_start3A] : memref<4096x768xf32, #tpu.memory_space<hbm>> -> memref<16x768xf32, #tpu.memory_space<hbm>>
      %dma_start3A_67 = arith.constant 0 : i32
      %dma_start3A_68 = tpu.memref_slice %arg2[%add3A_19, %dma_start3A_67] : memref<4096x768xf32, #tpu.memory_space<hbm>> -> memref<16x768xf32, #tpu.memory_space<hbm>>
      tpu.enqueue_dma source(%dma_start3A_68 : memref<16x768xf32, #tpu.memory_space<hbm>>) target(%arg5 : memref<16x768xf32, #tpu.memory_space<vmem>>) target_semaphore(%run_scoped3A : memref<!tpu.dma_semaphore, #tpu.memory_space<semaphore_mem>>)
      %dma_wait3A = arith.constant 0 : i32
      %dma_wait3A_69 = tpu.memref_slice %arg2[%add3A_19, %dma_wait3A] : memref<4096x768xf32, #tpu.memory_space<hbm>> -> memref<16x768xf32, #tpu.memory_space<hbm>>
      %dma_wait3A_70 = arith.constant 0 : i32
      %dma_wait3A_71 = tpu.memref_slice %arg2[%add3A_19, %dma_wait3A_70] : memref<4096x768xf32, #tpu.memory_space<hbm>> -> memref<16x768xf32, #tpu.memory_space<hbm>>
      tpu.wait_dma2 semaphore(%run_scoped3A : memref<!tpu.dma_semaphore, #tpu.memory_space<semaphore_mem>>) src(%dma_wait3A_71 : memref<16x768xf32, #tpu.memory_space<hbm>>) dst(%arg5 : memref<16x768xf32, #tpu.memory_space<vmem>>)
      tpu.yield
    }) : () -> ()
    "tpu.region"() ({
      %run_scoped3A = tpu.sem_alloc : memref<!tpu.dma_semaphore, #tpu.memory_space<semaphore_mem>>
      %dma_start3A = arith.constant 0 : i32
      %dma_start3A_66 = tpu.memref_slice %arg3[%add3A_19, %dma_start3A] : memref<4096x768xf32, #tpu.memory_space<hbm>> -> memref<16x768xf32, #tpu.memory_space<hbm>>
      %dma_start3A_67 = arith.constant 0 : i32
      %dma_start3A_68 = tpu.memref_slice %arg3[%add3A_19, %dma_start3A_67] : memref<4096x768xf32, #tpu.memory_space<hbm>> -> memref<16x768xf32, #tpu.memory_space<hbm>>
      tpu.enqueue_dma source(%dma_start3A_68 : memref<16x768xf32, #tpu.memory_space<hbm>>) target(%arg6 : memref<16x768xf32, #tpu.memory_space<vmem>>) target_semaphore(%run_scoped3A : memref<!tpu.dma_semaphore, #tpu.memory_space<semaphore_mem>>)
      %dma_wait3A = arith.constant 0 : i32
      %dma_wait3A_69 = tpu.memref_slice %arg3[%add3A_19, %dma_wait3A] : memref<4096x768xf32, #tpu.memory_space<hbm>> -> memref<16x768xf32, #tpu.memory_space<hbm>>
      %dma_wait3A_70 = arith.constant 0 : i32
      %dma_wait3A_71 = tpu.memref_slice %arg3[%add3A_19, %dma_wait3A_70] : memref<4096x768xf32, #tpu.memory_space<hbm>> -> memref<16x768xf32, #tpu.memory_space<hbm>>
      tpu.wait_dma2 semaphore(%run_scoped3A : memref<!tpu.dma_semaphore, #tpu.memory_space<semaphore_mem>>) src(%dma_wait3A_71 : memref<16x768xf32, #tpu.memory_space<hbm>>) dst(%arg6 : memref<16x768xf32, #tpu.memory_space<vmem>>)
      tpu.yield
    }) : () -> ()
    %scan3A_20 = arith.constant 0 : i32
    %scan3A_21 = arith.constant 0 : i32
    %scan3A_22 = arith.constant 16 : i32
    %scan3A_23 = arith.addi %scan3A_21, %scan3A_22 : i32
    %scan3A_24 = arith.constant 1 : i32
    scf.for %scan3A_66 = %scan3A_21 to %scan3A_23 step %scan3A_24  : i32 {
      %scan3A_67 = arith.constant 0 : i32
      %scan3A_68 = arith.constant 24 : i32
      %scan3A_69 = arith.addi %scan3A_67, %scan3A_68 : i32
      %scan3A_70 = arith.constant 1 : i32
      scf.for %scan3A_72 = %scan3A_67 to %scan3A_69 step %scan3A_70  : i32 {
        %mul3A_73 = arith.constant 16 : i32
        %mul3A_74 = arith.muli %scan3A_72, %mul3A_73 : i32
        %get3A = arith.index_cast %scan3A_66 : i32 to index
        %get3A_75 = arith.index_cast %mul3A_74 : i32 to index
        %get3A_76 = tpu.vector_load %arg5[%get3A, %get3A_75] {strides = array<i32>} : memref<16x768xf32, #tpu.memory_space<vmem>>, vector<1x16xf32>,
        %get3A_77 = vector.shape_cast %get3A_76 : vector<1x16xf32> to vector<16xf32>
        %add3A_78 = arith.constant 384 : i32
        %add3A_79 = arith.addi %mul3A_74, %add3A_78 : i32
        %get3A_80 = arith.index_cast %scan3A_66 : i32 to index
        %get3A_81 = arith.index_cast %add3A_79 : i32 to index
        %get3A_82 = tpu.vector_load %arg5[%get3A_80, %get3A_81] {strides = array<i32>} : memref<16x768xf32, #tpu.memory_space<vmem>>, vector<1x16xf32>,
        %get3A_83 = vector.shape_cast %get3A_82 : vector<1x16xf32> to vector<16xf32>
        %get3A_84 = arith.index_cast %scan3A_66 : i32 to index
        %get3A_85 = arith.index_cast %mul3A_74 : i32 to index
        %get3A_86 = tpu.vector_load %arg6[%get3A_84, %get3A_85] {strides = array<i32>} : memref<16x768xf32, #tpu.memory_space<vmem>>, vector<1x16xf32>,
        %get3A_87 = vector.shape_cast %get3A_86 : vector<1x16xf32> to vector<16xf32>
        %add3A_88 = arith.constant 384 : i32
        %add3A_89 = arith.addi %mul3A_74, %add3A_88 : i32
        %get3A_90 = arith.index_cast %scan3A_66 : i32 to index
        %get3A_91 = arith.index_cast %add3A_89 : i32 to index
        %get3A_92 = tpu.vector_load %arg6[%get3A_90, %get3A_91] {strides = array<i32>} : memref<16x768xf32, #tpu.memory_space<vmem>>, vector<1x16xf32>,
        %get3A_93 = vector.shape_cast %get3A_92 : vector<1x16xf32> to vector<16xf32>
        %sub3A = arith.subf %get3A_77, %get3A_83 : vector<16xf32>
        %sub3A_94 = arith.subf %get3A_87, %get3A_93 : vector<16xf32>
        %add3A_95 = arith.addf %sub3A, %sub3A_94 : vector<16xf32>
        %mul3A_96 = arith.constant 2.500000e-02 : f32
        %mul3A_97 = vector.broadcast %mul3A_96 : f32 to vector<16xf32>
        %mul3A_98 = arith.mulf %add3A_95, %mul3A_97 : vector<16xf32>
        %add3A_99 = arith.constant 2.000000e+00 : f32
        %add3A_100 = vector.broadcast %add3A_99 : f32 to vector<16xf32>
        %add3A_101 = arith.addf %mul3A_98, %add3A_100 : vector<16xf32>
        %min3A = arith.constant 2.000000e+00 : f32
        %min3A_102 = vector.broadcast %min3A : f32 to vector<16xf32>
        %min3A_103 = arith.minimumf %add3A_101, %min3A_102 : vector<16xf32>
        %swap3A = arith.index_cast %scan3A_66 : i32 to index
        %swap3A_104 = arith.index_cast %mul3A_74 : i32 to index
        %swap3A_105 = tpu.vector_load %arg7[%swap3A, %swap3A_104] {strides = array<i32>} : memref<16x768xf32, #tpu.memory_space<vmem>>, vector<1x16xf32>,
        %swap3A_106 = vector.shape_cast %swap3A_105 : vector<1x16xf32> to vector<16xf32>
        %swap3A_107 = vector.shape_cast %min3A_103 : vector<16xf32> to vector<1x16xf32>
        tpu.vector_store %arg7[%swap3A, %swap3A_104], %swap3A_107 {strides = array<i32>} : memref<16x768xf32, #tpu.memory_space<vmem>>, vector<1x16xf32>,
        %sub3A_108 = arith.constant 2.000000e+00 : f32
        %sub3A_109 = vector.broadcast %sub3A_108 : f32 to vector<16xf32>
        %sub3A_110 = arith.subf %sub3A_109, %mul3A_98 : vector<16xf32>
        %min3A_111 = arith.constant 2.000000e+00 : f32
        %min3A_112 = vector.broadcast %min3A_111 : f32 to vector<16xf32>
        %min3A_113 = arith.minimumf %sub3A_110, %min3A_112 : vector<16xf32>
        %add3A_114 = arith.constant 384 : i32
        %add3A_115 = arith.addi %mul3A_74, %add3A_114 : i32
        %swap3A_116 = arith.index_cast %scan3A_66 : i32 to index
        %swap3A_117 = arith.index_cast %add3A_115 : i32 to index
        %swap3A_118 = tpu.vector_load %arg7[%swap3A_116, %swap3A_117] {strides = array<i32>} : memref<16x768xf32, #tpu.memory_space<vmem>>, vector<1x16xf32>,
        %swap3A_119 = vector.shape_cast %swap3A_118 : vector<1x16xf32> to vector<16xf32>
        %swap3A_120 = vector.shape_cast %min3A_113 : vector<16xf32> to vector<1x16xf32>
        tpu.vector_store %arg7[%swap3A_116, %swap3A_117], %swap3A_120 {strides = array<i32>} : memref<16x768xf32, #tpu.memory_space<vmem>>, vector<1x16xf32>,
      }
      %scan3A_71 = arith.constant 24 : i32
    }
    %scan3A_25 = arith.constant 16 : i32
    "tpu.region"() ({
      %run_scoped3A = tpu.sem_alloc : memref<!tpu.dma_semaphore, #tpu.memory_space<semaphore_mem>>
      %dma_start3A = arith.constant 0 : i32
      %dma_start3A_66 = tpu.memref_slice %arg4[%add3A_19, %dma_start3A] : memref<4096x768xf32, #tpu.memory_space<hbm>> -> memref<16x768xf32, #tpu.memory_space<hbm>>
      %dma_start3A_67 = arith.constant 0 : i32
      %dma_start3A_68 = tpu.memref_slice %arg4[%add3A_19, %dma_start3A_67] : memref<4096x768xf32, #tpu.memory_space<hbm>> -> memref<16x768xf32, #tpu.memory_space<hbm>>
      tpu.enqueue_dma source(%arg7 : memref<16x768xf32, #tpu.memory_space<vmem>>) target(%dma_start3A_68 : memref<16x768xf32, #tpu.memory_space<hbm>>) target_semaphore(%run_scoped3A : memref<!tpu.dma_semaphore, #tpu.memory_space<semaphore_mem>>)
      %dma_wait3A = arith.constant 0 : i32
      %dma_wait3A_69 = tpu.memref_slice %arg4[%add3A_19, %dma_wait3A] : memref<4096x768xf32, #tpu.memory_space<hbm>> -> memref<16x768xf32, #tpu.memory_space<hbm>>
      %dma_wait3A_70 = arith.constant 0 : i32
      %dma_wait3A_71 = tpu.memref_slice %arg4[%add3A_19, %dma_wait3A_70] : memref<4096x768xf32, #tpu.memory_space<hbm>> -> memref<16x768xf32, #tpu.memory_space<hbm>>
      tpu.wait_dma2 semaphore(%run_scoped3A : memref<!tpu.dma_semaphore, #tpu.memory_space<semaphore_mem>>) src(%arg7 : memref<16x768xf32, #tpu.memory_space<vmem>>) dst(%dma_wait3A_71 : memref<16x768xf32, #tpu.memory_space<hbm>>)
      tpu.yield
    }) : () -> ()
    %add3A_26 = arith.constant 48 : i32
    %add3A_27 = arith.addi %mul3A_2, %add3A_26 : i32
    "tpu.region"() ({
      %run_scoped3A = tpu.sem_alloc : memref<!tpu.dma_semaphore, #tpu.memory_space<semaphore_mem>>
      %dma_start3A = arith.constant 0 : i32
      %dma_start3A_66 = tpu.memref_slice %arg2[%add3A_27, %dma_start3A] : memref<4096x768xf32, #tpu.memory_space<hbm>> -> memref<16x768xf32, #tpu.memory_space<hbm>>
      %dma_start3A_67 = arith.constant 0 : i32
      %dma_start3A_68 = tpu.memref_slice %arg2[%add3A_27, %dma_start3A_67] : memref<4096x768xf32, #tpu.memory_space<hbm>> -> memref<16x768xf32, #tpu.memory_space<hbm>>
      tpu.enqueue_dma source(%dma_start3A_68 : memref<16x768xf32, #tpu.memory_space<hbm>>) target(%arg5 : memref<16x768xf32, #tpu.memory_space<vmem>>) target_semaphore(%run_scoped3A : memref<!tpu.dma_semaphore, #tpu.memory_space<semaphore_mem>>)
      %dma_wait3A = arith.constant 0 : i32
      %dma_wait3A_69 = tpu.memref_slice %arg2[%add3A_27, %dma_wait3A] : memref<4096x768xf32, #tpu.memory_space<hbm>> -> memref<16x768xf32, #tpu.memory_space<hbm>>
      %dma_wait3A_70 = arith.constant 0 : i32
      %dma_wait3A_71 = tpu.memref_slice %arg2[%add3A_27, %dma_wait3A_70] : memref<4096x768xf32, #tpu.memory_space<hbm>> -> memref<16x768xf32, #tpu.memory_space<hbm>>
      tpu.wait_dma2 semaphore(%run_scoped3A : memref<!tpu.dma_semaphore, #tpu.memory_space<semaphore_mem>>) src(%dma_wait3A_71 : memref<16x768xf32, #tpu.memory_space<hbm>>) dst(%arg5 : memref<16x768xf32, #tpu.memory_space<vmem>>)
      tpu.yield
    }) : () -> ()
    "tpu.region"() ({
      %run_scoped3A = tpu.sem_alloc : memref<!tpu.dma_semaphore, #tpu.memory_space<semaphore_mem>>
      %dma_start3A = arith.constant 0 : i32
      %dma_start3A_66 = tpu.memref_slice %arg3[%add3A_27, %dma_start3A] : memref<4096x768xf32, #tpu.memory_space<hbm>> -> memref<16x768xf32, #tpu.memory_space<hbm>>
      %dma_start3A_67 = arith.constant 0 : i32
      %dma_start3A_68 = tpu.memref_slice %arg3[%add3A_27, %dma_start3A_67] : memref<4096x768xf32, #tpu.memory_space<hbm>> -> memref<16x768xf32, #tpu.memory_space<hbm>>
      tpu.enqueue_dma source(%dma_start3A_68 : memref<16x768xf32, #tpu.memory_space<hbm>>) target(%arg6 : memref<16x768xf32, #tpu.memory_space<vmem>>) target_semaphore(%run_scoped3A : memref<!tpu.dma_semaphore, #tpu.memory_space<semaphore_mem>>)
      %dma_wait3A = arith.constant 0 : i32
      %dma_wait3A_69 = tpu.memref_slice %arg3[%add3A_27, %dma_wait3A] : memref<4096x768xf32, #tpu.memory_space<hbm>> -> memref<16x768xf32, #tpu.memory_space<hbm>>
      %dma_wait3A_70 = arith.constant 0 : i32
      %dma_wait3A_71 = tpu.memref_slice %arg3[%add3A_27, %dma_wait3A_70] : memref<4096x768xf32, #tpu.memory_space<hbm>> -> memref<16x768xf32, #tpu.memory_space<hbm>>
      tpu.wait_dma2 semaphore(%run_scoped3A : memref<!tpu.dma_semaphore, #tpu.memory_space<semaphore_mem>>) src(%dma_wait3A_71 : memref<16x768xf32, #tpu.memory_space<hbm>>) dst(%arg6 : memref<16x768xf32, #tpu.memory_space<vmem>>)
      tpu.yield
    }) : () -> ()
    %scan3A_28 = arith.constant 0 : i32
    %scan3A_29 = arith.constant 0 : i32
    %scan3A_30 = arith.constant 16 : i32
    %scan3A_31 = arith.addi %scan3A_29, %scan3A_30 : i32
    %scan3A_32 = arith.constant 1 : i32
    scf.for %scan3A_66 = %scan3A_29 to %scan3A_31 step %scan3A_32  : i32 {
      %scan3A_67 = arith.constant 0 : i32
      %scan3A_68 = arith.constant 24 : i32
      %scan3A_69 = arith.addi %scan3A_67, %scan3A_68 : i32
      %scan3A_70 = arith.constant 1 : i32
      scf.for %scan3A_72 = %scan3A_67 to %scan3A_69 step %scan3A_70  : i32 {
        %mul3A_73 = arith.constant 16 : i32
        %mul3A_74 = arith.muli %scan3A_72, %mul3A_73 : i32
        %get3A = arith.index_cast %scan3A_66 : i32 to index
        %get3A_75 = arith.index_cast %mul3A_74 : i32 to index
        %get3A_76 = tpu.vector_load %arg5[%get3A, %get3A_75] {strides = array<i32>} : memref<16x768xf32, #tpu.memory_space<vmem>>, vector<1x16xf32>,
        %get3A_77 = vector.shape_cast %get3A_76 : vector<1x16xf32> to vector<16xf32>
        %add3A_78 = arith.constant 384 : i32
        %add3A_79 = arith.addi %mul3A_74, %add3A_78 : i32
        %get3A_80 = arith.index_cast %scan3A_66 : i32 to index
        %get3A_81 = arith.index_cast %add3A_79 : i32 to index
        %get3A_82 = tpu.vector_load %arg5[%get3A_80, %get3A_81] {strides = array<i32>} : memref<16x768xf32, #tpu.memory_space<vmem>>, vector<1x16xf32>,
        %get3A_83 = vector.shape_cast %get3A_82 : vector<1x16xf32> to vector<16xf32>
        %get3A_84 = arith.index_cast %scan3A_66 : i32 to index
        %get3A_85 = arith.index_cast %mul3A_74 : i32 to index
        %get3A_86 = tpu.vector_load %arg6[%get3A_84, %get3A_85] {strides = array<i32>} : memref<16x768xf32, #tpu.memory_space<vmem>>, vector<1x16xf32>,
        %get3A_87 = vector.shape_cast %get3A_86 : vector<1x16xf32> to vector<16xf32>
        %add3A_88 = arith.constant 384 : i32
        %add3A_89 = arith.addi %mul3A_74, %add3A_88 : i32
        %get3A_90 = arith.index_cast %scan3A_66 : i32 to index
        %get3A_91 = arith.index_cast %add3A_89 : i32 to index
        %get3A_92 = tpu.vector_load %arg6[%get3A_90, %get3A_91] {strides = array<i32>} : memref<16x768xf32, #tpu.memory_space<vmem>>, vector<1x16xf32>,
        %get3A_93 = vector.shape_cast %get3A_92 : vector<1x16xf32> to vector<16xf32>
        %sub3A = arith.subf %get3A_77, %get3A_83 : vector<16xf32>
        %sub3A_94 = arith.subf %get3A_87, %get3A_93 : vector<16xf32>
        %add3A_95 = arith.addf %sub3A, %sub3A_94 : vector<16xf32>
        %mul3A_96 = arith.constant 2.500000e-02 : f32
        %mul3A_97 = vector.broadcast %mul3A_96 : f32 to vector<16xf32>
        %mul3A_98 = arith.mulf %add3A_95, %mul3A_97 : vector<16xf32>
        %add3A_99 = arith.constant 2.000000e+00 : f32
        %add3A_100 = vector.broadcast %add3A_99 : f32 to vector<16xf32>
        %add3A_101 = arith.addf %mul3A_98, %add3A_100 : vector<16xf32>
        %min3A = arith.constant 2.000000e+00 : f32
        %min3A_102 = vector.broadcast %min3A : f32 to vector<16xf32>
        %min3A_103 = arith.minimumf %add3A_101, %min3A_102 : vector<16xf32>
        %swap3A = arith.index_cast %scan3A_66 : i32 to index
        %swap3A_104 = arith.index_cast %mul3A_74 : i32 to index
        %swap3A_105 = tpu.vector_load %arg7[%swap3A, %swap3A_104] {strides = array<i32>} : memref<16x768xf32, #tpu.memory_space<vmem>>, vector<1x16xf32>,
        %swap3A_106 = vector.shape_cast %swap3A_105 : vector<1x16xf32> to vector<16xf32>
        %swap3A_107 = vector.shape_cast %min3A_103 : vector<16xf32> to vector<1x16xf32>
        tpu.vector_store %arg7[%swap3A, %swap3A_104], %swap3A_107 {strides = array<i32>} : memref<16x768xf32, #tpu.memory_space<vmem>>, vector<1x16xf32>,
        %sub3A_108 = arith.constant 2.000000e+00 : f32
        %sub3A_109 = vector.broadcast %sub3A_108 : f32 to vector<16xf32>
        %sub3A_110 = arith.subf %sub3A_109, %mul3A_98 : vector<16xf32>
        %min3A_111 = arith.constant 2.000000e+00 : f32
        %min3A_112 = vector.broadcast %min3A_111 : f32 to vector<16xf32>
        %min3A_113 = arith.minimumf %sub3A_110, %min3A_112 : vector<16xf32>
        %add3A_114 = arith.constant 384 : i32
        %add3A_115 = arith.addi %mul3A_74, %add3A_114 : i32
        %swap3A_116 = arith.index_cast %scan3A_66 : i32 to index
        %swap3A_117 = arith.index_cast %add3A_115 : i32 to index
        %swap3A_118 = tpu.vector_load %arg7[%swap3A_116, %swap3A_117] {strides = array<i32>} : memref<16x768xf32, #tpu.memory_space<vmem>>, vector<1x16xf32>,
        %swap3A_119 = vector.shape_cast %swap3A_118 : vector<1x16xf32> to vector<16xf32>
        %swap3A_120 = vector.shape_cast %min3A_113 : vector<16xf32> to vector<1x16xf32>
        tpu.vector_store %arg7[%swap3A_116, %swap3A_117], %swap3A_120 {strides = array<i32>} : memref<16x768xf32, #tpu.memory_space<vmem>>, vector<1x16xf32>,
      }
      %scan3A_71 = arith.constant 24 : i32
    }
    %scan3A_33 = arith.constant 16 : i32
    "tpu.region"() ({
      %run_scoped3A = tpu.sem_alloc : memref<!tpu.dma_semaphore, #tpu.memory_space<semaphore_mem>>
      %dma_start3A = arith.constant 0 : i32
      %dma_start3A_66 = tpu.memref_slice %arg4[%add3A_27, %dma_start3A] : memref<4096x768xf32, #tpu.memory_space<hbm>> -> memref<16x768xf32, #tpu.memory_space<hbm>>
      %dma_start3A_67 = arith.constant 0 : i32
      %dma_start3A_68 = tpu.memref_slice %arg4[%add3A_27, %dma_start3A_67] : memref<4096x768xf32, #tpu.memory_space<hbm>> -> memref<16x768xf32, #tpu.memory_space<hbm>>
      tpu.enqueue_dma source(%arg7 : memref<16x768xf32, #tpu.memory_space<vmem>>) target(%dma_start3A_68 : memref<16x768xf32, #tpu.memory_space<hbm>>) target_semaphore(%run_scoped3A : memref<!tpu.dma_semaphore, #tpu.memory_space<semaphore_mem>>)
      %dma_wait3A = arith.constant 0 : i32
      %dma_wait3A_69 = tpu.memref_slice %arg4[%add3A_27, %dma_wait3A] : memref<4096x768xf32, #tpu.memory_space<hbm>> -> memref<16x768xf32, #tpu.memory_space<hbm>>
      %dma_wait3A_70 = arith.constant 0 : i32
      %dma_wait3A_71 = tpu.memref_slice %arg4[%add3A_27, %dma_wait3A_70] : memref<4096x768xf32, #tpu.memory_space<hbm>> -> memref<16x768xf32, #tpu.memory_space<hbm>>
      tpu.wait_dma2 semaphore(%run_scoped3A : memref<!tpu.dma_semaphore, #tpu.memory_space<semaphore_mem>>) src(%arg7 : memref<16x768xf32, #tpu.memory_space<vmem>>) dst(%dma_wait3A_71 : memref<16x768xf32, #tpu.memory_space<hbm>>)
      tpu.yield
    }) : () -> ()
    %add3A_34 = arith.constant 64 : i32
    %add3A_35 = arith.addi %mul3A_2, %add3A_34 : i32
    "tpu.region"() ({
      %run_scoped3A = tpu.sem_alloc : memref<!tpu.dma_semaphore, #tpu.memory_space<semaphore_mem>>
      %dma_start3A = arith.constant 0 : i32
      %dma_start3A_66 = tpu.memref_slice %arg2[%add3A_35, %dma_start3A] : memref<4096x768xf32, #tpu.memory_space<hbm>> -> memref<16x768xf32, #tpu.memory_space<hbm>>
      %dma_start3A_67 = arith.constant 0 : i32
      %dma_start3A_68 = tpu.memref_slice %arg2[%add3A_35, %dma_start3A_67] : memref<4096x768xf32, #tpu.memory_space<hbm>> -> memref<16x768xf32, #tpu.memory_space<hbm>>
      tpu.enqueue_dma source(%dma_start3A_68 : memref<16x768xf32, #tpu.memory_space<hbm>>) target(%arg5 : memref<16x768xf32, #tpu.memory_space<vmem>>) target_semaphore(%run_scoped3A : memref<!tpu.dma_semaphore, #tpu.memory_space<semaphore_mem>>)
      %dma_wait3A = arith.constant 0 : i32
      %dma_wait3A_69 = tpu.memref_slice %arg2[%add3A_35, %dma_wait3A] : memref<4096x768xf32, #tpu.memory_space<hbm>> -> memref<16x768xf32, #tpu.memory_space<hbm>>
      %dma_wait3A_70 = arith.constant 0 : i32
      %dma_wait3A_71 = tpu.memref_slice %arg2[%add3A_35, %dma_wait3A_70] : memref<4096x768xf32, #tpu.memory_space<hbm>> -> memref<16x768xf32, #tpu.memory_space<hbm>>
      tpu.wait_dma2 semaphore(%run_scoped3A : memref<!tpu.dma_semaphore, #tpu.memory_space<semaphore_mem>>) src(%dma_wait3A_71 : memref<16x768xf32, #tpu.memory_space<hbm>>) dst(%arg5 : memref<16x768xf32, #tpu.memory_space<vmem>>)
      tpu.yield
    }) : () -> ()
    "tpu.region"() ({
      %run_scoped3A = tpu.sem_alloc : memref<!tpu.dma_semaphore, #tpu.memory_space<semaphore_mem>>
      %dma_start3A = arith.constant 0 : i32
      %dma_start3A_66 = tpu.memref_slice %arg3[%add3A_35, %dma_start3A] : memref<4096x768xf32, #tpu.memory_space<hbm>> -> memref<16x768xf32, #tpu.memory_space<hbm>>
      %dma_start3A_67 = arith.constant 0 : i32
      %dma_start3A_68 = tpu.memref_slice %arg3[%add3A_35, %dma_start3A_67] : memref<4096x768xf32, #tpu.memory_space<hbm>> -> memref<16x768xf32, #tpu.memory_space<hbm>>
      tpu.enqueue_dma source(%dma_start3A_68 : memref<16x768xf32, #tpu.memory_space<hbm>>) target(%arg6 : memref<16x768xf32, #tpu.memory_space<vmem>>) target_semaphore(%run_scoped3A : memref<!tpu.dma_semaphore, #tpu.memory_space<semaphore_mem>>)
      %dma_wait3A = arith.constant 0 : i32
      %dma_wait3A_69 = tpu.memref_slice %arg3[%add3A_35, %dma_wait3A] : memref<4096x768xf32, #tpu.memory_space<hbm>> -> memref<16x768xf32, #tpu.memory_space<hbm>>
      %dma_wait3A_70 = arith.constant 0 : i32
      %dma_wait3A_71 = tpu.memref_slice %arg3[%add3A_35, %dma_wait3A_70] : memref<4096x768xf32, #tpu.memory_space<hbm>> -> memref<16x768xf32, #tpu.memory_space<hbm>>
      tpu.wait_dma2 semaphore(%run_scoped3A : memref<!tpu.dma_semaphore, #tpu.memory_space<semaphore_mem>>) src(%dma_wait3A_71 : memref<16x768xf32, #tpu.memory_space<hbm>>) dst(%arg6 : memref<16x768xf32, #tpu.memory_space<vmem>>)
      tpu.yield
    }) : () -> ()
    %scan3A_36 = arith.constant 0 : i32
    %scan3A_37 = arith.constant 0 : i32
    %scan3A_38 = arith.constant 16 : i32
    %scan3A_39 = arith.addi %scan3A_37, %scan3A_38 : i32
    %scan3A_40 = arith.constant 1 : i32
    scf.for %scan3A_66 = %scan3A_37 to %scan3A_39 step %scan3A_40  : i32 {
      %scan3A_67 = arith.constant 0 : i32
      %scan3A_68 = arith.constant 24 : i32
      %scan3A_69 = arith.addi %scan3A_67, %scan3A_68 : i32
      %scan3A_70 = arith.constant 1 : i32
      scf.for %scan3A_72 = %scan3A_67 to %scan3A_69 step %scan3A_70  : i32 {
        %mul3A_73 = arith.constant 16 : i32
        %mul3A_74 = arith.muli %scan3A_72, %mul3A_73 : i32
        %get3A = arith.index_cast %scan3A_66 : i32 to index
        %get3A_75 = arith.index_cast %mul3A_74 : i32 to index
        %get3A_76 = tpu.vector_load %arg5[%get3A, %get3A_75] {strides = array<i32>} : memref<16x768xf32, #tpu.memory_space<vmem>>, vector<1x16xf32>,
        %get3A_77 = vector.shape_cast %get3A_76 : vector<1x16xf32> to vector<16xf32>
        %add3A_78 = arith.constant 384 : i32
        %add3A_79 = arith.addi %mul3A_74, %add3A_78 : i32
        %get3A_80 = arith.index_cast %scan3A_66 : i32 to index
        %get3A_81 = arith.index_cast %add3A_79 : i32 to index
        %get3A_82 = tpu.vector_load %arg5[%get3A_80, %get3A_81] {strides = array<i32>} : memref<16x768xf32, #tpu.memory_space<vmem>>, vector<1x16xf32>,
        %get3A_83 = vector.shape_cast %get3A_82 : vector<1x16xf32> to vector<16xf32>
        %get3A_84 = arith.index_cast %scan3A_66 : i32 to index
        %get3A_85 = arith.index_cast %mul3A_74 : i32 to index
        %get3A_86 = tpu.vector_load %arg6[%get3A_84, %get3A_85] {strides = array<i32>} : memref<16x768xf32, #tpu.memory_space<vmem>>, vector<1x16xf32>,
        %get3A_87 = vector.shape_cast %get3A_86 : vector<1x16xf32> to vector<16xf32>
        %add3A_88 = arith.constant 384 : i32
        %add3A_89 = arith.addi %mul3A_74, %add3A_88 : i32
        %get3A_90 = arith.index_cast %scan3A_66 : i32 to index
        %get3A_91 = arith.index_cast %add3A_89 : i32 to index
        %get3A_92 = tpu.vector_load %arg6[%get3A_90, %get3A_91] {strides = array<i32>} : memref<16x768xf32, #tpu.memory_space<vmem>>, vector<1x16xf32>,
        %get3A_93 = vector.shape_cast %get3A_92 : vector<1x16xf32> to vector<16xf32>
        %sub3A = arith.subf %get3A_77, %get3A_83 : vector<16xf32>
        %sub3A_94 = arith.subf %get3A_87, %get3A_93 : vector<16xf32>
        %add3A_95 = arith.addf %sub3A, %sub3A_94 : vector<16xf32>
        %mul3A_96 = arith.constant 2.500000e-02 : f32
        %mul3A_97 = vector.broadcast %mul3A_96 : f32 to vector<16xf32>
        %mul3A_98 = arith.mulf %add3A_95, %mul3A_97 : vector<16xf32>
        %add3A_99 = arith.constant 2.000000e+00 : f32
        %add3A_100 = vector.broadcast %add3A_99 : f32 to vector<16xf32>
        %add3A_101 = arith.addf %mul3A_98, %add3A_100 : vector<16xf32>
        %min3A = arith.constant 2.000000e+00 : f32
        %min3A_102 = vector.broadcast %min3A : f32 to vector<16xf32>
        %min3A_103 = arith.minimumf %add3A_101, %min3A_102 : vector<16xf32>
        %swap3A = arith.index_cast %scan3A_66 : i32 to index
        %swap3A_104 = arith.index_cast %mul3A_74 : i32 to index
        %swap3A_105 = tpu.vector_load %arg7[%swap3A, %swap3A_104] {strides = array<i32>} : memref<16x768xf32, #tpu.memory_space<vmem>>, vector<1x16xf32>,
        %swap3A_106 = vector.shape_cast %swap3A_105 : vector<1x16xf32> to vector<16xf32>
        %swap3A_107 = vector.shape_cast %min3A_103 : vector<16xf32> to vector<1x16xf32>
        tpu.vector_store %arg7[%swap3A, %swap3A_104], %swap3A_107 {strides = array<i32>} : memref<16x768xf32, #tpu.memory_space<vmem>>, vector<1x16xf32>,
        %sub3A_108 = arith.constant 2.000000e+00 : f32
        %sub3A_109 = vector.broadcast %sub3A_108 : f32 to vector<16xf32>
        %sub3A_110 = arith.subf %sub3A_109, %mul3A_98 : vector<16xf32>
        %min3A_111 = arith.constant 2.000000e+00 : f32
        %min3A_112 = vector.broadcast %min3A_111 : f32 to vector<16xf32>
        %min3A_113 = arith.minimumf %sub3A_110, %min3A_112 : vector<16xf32>
        %add3A_114 = arith.constant 384 : i32
        %add3A_115 = arith.addi %mul3A_74, %add3A_114 : i32
        %swap3A_116 = arith.index_cast %scan3A_66 : i32 to index
        %swap3A_117 = arith.index_cast %add3A_115 : i32 to index
        %swap3A_118 = tpu.vector_load %arg7[%swap3A_116, %swap3A_117] {strides = array<i32>} : memref<16x768xf32, #tpu.memory_space<vmem>>, vector<1x16xf32>,
        %swap3A_119 = vector.shape_cast %swap3A_118 : vector<1x16xf32> to vector<16xf32>
        %swap3A_120 = vector.shape_cast %min3A_113 : vector<16xf32> to vector<1x16xf32>
        tpu.vector_store %arg7[%swap3A_116, %swap3A_117], %swap3A_120 {strides = array<i32>} : memref<16x768xf32, #tpu.memory_space<vmem>>, vector<1x16xf32>,
      }
      %scan3A_71 = arith.constant 24 : i32
    }
    %scan3A_41 = arith.constant 16 : i32
    "tpu.region"() ({
      %run_scoped3A = tpu.sem_alloc : memref<!tpu.dma_semaphore, #tpu.memory_space<semaphore_mem>>
      %dma_start3A = arith.constant 0 : i32
      %dma_start3A_66 = tpu.memref_slice %arg4[%add3A_35, %dma_start3A] : memref<4096x768xf32, #tpu.memory_space<hbm>> -> memref<16x768xf32, #tpu.memory_space<hbm>>
      %dma_start3A_67 = arith.constant 0 : i32
      %dma_start3A_68 = tpu.memref_slice %arg4[%add3A_35, %dma_start3A_67] : memref<4096x768xf32, #tpu.memory_space<hbm>> -> memref<16x768xf32, #tpu.memory_space<hbm>>
      tpu.enqueue_dma source(%arg7 : memref<16x768xf32, #tpu.memory_space<vmem>>) target(%dma_start3A_68 : memref<16x768xf32, #tpu.memory_space<hbm>>) target_semaphore(%run_scoped3A : memref<!tpu.dma_semaphore, #tpu.memory_space<semaphore_mem>>)
      %dma_wait3A = arith.constant 0 : i32
      %dma_wait3A_69 = tpu.memref_slice %arg4[%add3A_35, %dma_wait3A] : memref<4096x768xf32, #tpu.memory_space<hbm>> -> memref<16x768xf32, #tpu.memory_space<hbm>>
      %dma_wait3A_70 = arith.constant 0 : i32
      %dma_wait3A_71 = tpu.memref_slice %arg4[%add3A_35, %dma_wait3A_70] : memref<4096x768xf32, #tpu.memory_space<hbm>> -> memref<16x768xf32, #tpu.memory_space<hbm>>
      tpu.wait_dma2 semaphore(%run_scoped3A : memref<!tpu.dma_semaphore, #tpu.memory_space<semaphore_mem>>) src(%arg7 : memref<16x768xf32, #tpu.memory_space<vmem>>) dst(%dma_wait3A_71 : memref<16x768xf32, #tpu.memory_space<hbm>>)
      tpu.yield
    }) : () -> ()
    %add3A_42 = arith.constant 80 : i32
    %add3A_43 = arith.addi %mul3A_2, %add3A_42 : i32
    "tpu.region"() ({
      %run_scoped3A = tpu.sem_alloc : memref<!tpu.dma_semaphore, #tpu.memory_space<semaphore_mem>>
      %dma_start3A = arith.constant 0 : i32
      %dma_start3A_66 = tpu.memref_slice %arg2[%add3A_43, %dma_start3A] : memref<4096x768xf32, #tpu.memory_space<hbm>> -> memref<16x768xf32, #tpu.memory_space<hbm>>
      %dma_start3A_67 = arith.constant 0 : i32
      %dma_start3A_68 = tpu.memref_slice %arg2[%add3A_43, %dma_start3A_67] : memref<4096x768xf32, #tpu.memory_space<hbm>> -> memref<16x768xf32, #tpu.memory_space<hbm>>
      tpu.enqueue_dma source(%dma_start3A_68 : memref<16x768xf32, #tpu.memory_space<hbm>>) target(%arg5 : memref<16x768xf32, #tpu.memory_space<vmem>>) target_semaphore(%run_scoped3A : memref<!tpu.dma_semaphore, #tpu.memory_space<semaphore_mem>>)
      %dma_wait3A = arith.constant 0 : i32
      %dma_wait3A_69 = tpu.memref_slice %arg2[%add3A_43, %dma_wait3A] : memref<4096x768xf32, #tpu.memory_space<hbm>> -> memref<16x768xf32, #tpu.memory_space<hbm>>
      %dma_wait3A_70 = arith.constant 0 : i32
      %dma_wait3A_71 = tpu.memref_slice %arg2[%add3A_43, %dma_wait3A_70] : memref<4096x768xf32, #tpu.memory_space<hbm>> -> memref<16x768xf32, #tpu.memory_space<hbm>>
      tpu.wait_dma2 semaphore(%run_scoped3A : memref<!tpu.dma_semaphore, #tpu.memory_space<semaphore_mem>>) src(%dma_wait3A_71 : memref<16x768xf32, #tpu.memory_space<hbm>>) dst(%arg5 : memref<16x768xf32, #tpu.memory_space<vmem>>)
      tpu.yield
    }) : () -> ()
    "tpu.region"() ({
      %run_scoped3A = tpu.sem_alloc : memref<!tpu.dma_semaphore, #tpu.memory_space<semaphore_mem>>
      %dma_start3A = arith.constant 0 : i32
      %dma_start3A_66 = tpu.memref_slice %arg3[%add3A_43, %dma_start3A] : memref<4096x768xf32, #tpu.memory_space<hbm>> -> memref<16x768xf32, #tpu.memory_space<hbm>>
      %dma_start3A_67 = arith.constant 0 : i32
      %dma_start3A_68 = tpu.memref_slice %arg3[%add3A_43, %dma_start3A_67] : memref<4096x768xf32, #tpu.memory_space<hbm>> -> memref<16x768xf32, #tpu.memory_space<hbm>>
      tpu.enqueue_dma source(%dma_start3A_68 : memref<16x768xf32, #tpu.memory_space<hbm>>) target(%arg6 : memref<16x768xf32, #tpu.memory_space<vmem>>) target_semaphore(%run_scoped3A : memref<!tpu.dma_semaphore, #tpu.memory_space<semaphore_mem>>)
      %dma_wait3A = arith.constant 0 : i32
      %dma_wait3A_69 = tpu.memref_slice %arg3[%add3A_43, %dma_wait3A] : memref<4096x768xf32, #tpu.memory_space<hbm>> -> memref<16x768xf32, #tpu.memory_space<hbm>>
      %dma_wait3A_70 = arith.constant 0 : i32
      %dma_wait3A_71 = tpu.memref_slice %arg3[%add3A_43, %dma_wait3A_70] : memref<4096x768xf32, #tpu.memory_space<hbm>> -> memref<16x768xf32, #tpu.memory_space<hbm>>
      tpu.wait_dma2 semaphore(%run_scoped3A : memref<!tpu.dma_semaphore, #tpu.memory_space<semaphore_mem>>) src(%dma_wait3A_71 : memref<16x768xf32, #tpu.memory_space<hbm>>) dst(%arg6 : memref<16x768xf32, #tpu.memory_space<vmem>>)
      tpu.yield
    }) : () -> ()
    %scan3A_44 = arith.constant 0 : i32
    %scan3A_45 = arith.constant 0 : i32
    %scan3A_46 = arith.constant 16 : i32
    %scan3A_47 = arith.addi %scan3A_45, %scan3A_46 : i32
    %scan3A_48 = arith.constant 1 : i32
    scf.for %scan3A_66 = %scan3A_45 to %scan3A_47 step %scan3A_48  : i32 {
      %scan3A_67 = arith.constant 0 : i32
      %scan3A_68 = arith.constant 24 : i32
      %scan3A_69 = arith.addi %scan3A_67, %scan3A_68 : i32
      %scan3A_70 = arith.constant 1 : i32
      scf.for %scan3A_72 = %scan3A_67 to %scan3A_69 step %scan3A_70  : i32 {
        %mul3A_73 = arith.constant 16 : i32
        %mul3A_74 = arith.muli %scan3A_72, %mul3A_73 : i32
        %get3A = arith.index_cast %scan3A_66 : i32 to index
        %get3A_75 = arith.index_cast %mul3A_74 : i32 to index
        %get3A_76 = tpu.vector_load %arg5[%get3A, %get3A_75] {strides = array<i32>} : memref<16x768xf32, #tpu.memory_space<vmem>>, vector<1x16xf32>,
        %get3A_77 = vector.shape_cast %get3A_76 : vector<1x16xf32> to vector<16xf32>
        %add3A_78 = arith.constant 384 : i32
        %add3A_79 = arith.addi %mul3A_74, %add3A_78 : i32
        %get3A_80 = arith.index_cast %scan3A_66 : i32 to index
        %get3A_81 = arith.index_cast %add3A_79 : i32 to index
        %get3A_82 = tpu.vector_load %arg5[%get3A_80, %get3A_81] {strides = array<i32>} : memref<16x768xf32, #tpu.memory_space<vmem>>, vector<1x16xf32>,
        %get3A_83 = vector.shape_cast %get3A_82 : vector<1x16xf32> to vector<16xf32>
        %get3A_84 = arith.index_cast %scan3A_66 : i32 to index
        %get3A_85 = arith.index_cast %mul3A_74 : i32 to index
        %get3A_86 = tpu.vector_load %arg6[%get3A_84, %get3A_85] {strides = array<i32>} : memref<16x768xf32, #tpu.memory_space<vmem>>, vector<1x16xf32>,
        %get3A_87 = vector.shape_cast %get3A_86 : vector<1x16xf32> to vector<16xf32>
        %add3A_88 = arith.constant 384 : i32
        %add3A_89 = arith.addi %mul3A_74, %add3A_88 : i32
        %get3A_90 = arith.index_cast %scan3A_66 : i32 to index
        %get3A_91 = arith.index_cast %add3A_89 : i32 to index
        %get3A_92 = tpu.vector_load %arg6[%get3A_90, %get3A_91] {strides = array<i32>} : memref<16x768xf32, #tpu.memory_space<vmem>>, vector<1x16xf32>,
        %get3A_93 = vector.shape_cast %get3A_92 : vector<1x16xf32> to vector<16xf32>
        %sub3A = arith.subf %get3A_77, %get3A_83 : vector<16xf32>
        %sub3A_94 = arith.subf %get3A_87, %get3A_93 : vector<16xf32>
        %add3A_95 = arith.addf %sub3A, %sub3A_94 : vector<16xf32>
        %mul3A_96 = arith.constant 2.500000e-02 : f32
        %mul3A_97 = vector.broadcast %mul3A_96 : f32 to vector<16xf32>
        %mul3A_98 = arith.mulf %add3A_95, %mul3A_97 : vector<16xf32>
        %add3A_99 = arith.constant 2.000000e+00 : f32
        %add3A_100 = vector.broadcast %add3A_99 : f32 to vector<16xf32>
        %add3A_101 = arith.addf %mul3A_98, %add3A_100 : vector<16xf32>
        %min3A = arith.constant 2.000000e+00 : f32
        %min3A_102 = vector.broadcast %min3A : f32 to vector<16xf32>
        %min3A_103 = arith.minimumf %add3A_101, %min3A_102 : vector<16xf32>
        %swap3A = arith.index_cast %scan3A_66 : i32 to index
        %swap3A_104 = arith.index_cast %mul3A_74 : i32 to index
        %swap3A_105 = tpu.vector_load %arg7[%swap3A, %swap3A_104] {strides = array<i32>} : memref<16x768xf32, #tpu.memory_space<vmem>>, vector<1x16xf32>,
        %swap3A_106 = vector.shape_cast %swap3A_105 : vector<1x16xf32> to vector<16xf32>
        %swap3A_107 = vector.shape_cast %min3A_103 : vector<16xf32> to vector<1x16xf32>
        tpu.vector_store %arg7[%swap3A, %swap3A_104], %swap3A_107 {strides = array<i32>} : memref<16x768xf32, #tpu.memory_space<vmem>>, vector<1x16xf32>,
        %sub3A_108 = arith.constant 2.000000e+00 : f32
        %sub3A_109 = vector.broadcast %sub3A_108 : f32 to vector<16xf32>
        %sub3A_110 = arith.subf %sub3A_109, %mul3A_98 : vector<16xf32>
        %min3A_111 = arith.constant 2.000000e+00 : f32
        %min3A_112 = vector.broadcast %min3A_111 : f32 to vector<16xf32>
        %min3A_113 = arith.minimumf %sub3A_110, %min3A_112 : vector<16xf32>
        %add3A_114 = arith.constant 384 : i32
        %add3A_115 = arith.addi %mul3A_74, %add3A_114 : i32
        %swap3A_116 = arith.index_cast %scan3A_66 : i32 to index
        %swap3A_117 = arith.index_cast %add3A_115 : i32 to index
        %swap3A_118 = tpu.vector_load %arg7[%swap3A_116, %swap3A_117] {strides = array<i32>} : memref<16x768xf32, #tpu.memory_space<vmem>>, vector<1x16xf32>,
        %swap3A_119 = vector.shape_cast %swap3A_118 : vector<1x16xf32> to vector<16xf32>
        %swap3A_120 = vector.shape_cast %min3A_113 : vector<16xf32> to vector<1x16xf32>
        tpu.vector_store %arg7[%swap3A_116, %swap3A_117], %swap3A_120 {strides = array<i32>} : memref<16x768xf32, #tpu.memory_space<vmem>>, vector<1x16xf32>,
      }
      %scan3A_71 = arith.constant 24 : i32
    }
    %scan3A_49 = arith.constant 16 : i32
    "tpu.region"() ({
      %run_scoped3A = tpu.sem_alloc : memref<!tpu.dma_semaphore, #tpu.memory_space<semaphore_mem>>
      %dma_start3A = arith.constant 0 : i32
      %dma_start3A_66 = tpu.memref_slice %arg4[%add3A_43, %dma_start3A] : memref<4096x768xf32, #tpu.memory_space<hbm>> -> memref<16x768xf32, #tpu.memory_space<hbm>>
      %dma_start3A_67 = arith.constant 0 : i32
      %dma_start3A_68 = tpu.memref_slice %arg4[%add3A_43, %dma_start3A_67] : memref<4096x768xf32, #tpu.memory_space<hbm>> -> memref<16x768xf32, #tpu.memory_space<hbm>>
      tpu.enqueue_dma source(%arg7 : memref<16x768xf32, #tpu.memory_space<vmem>>) target(%dma_start3A_68 : memref<16x768xf32, #tpu.memory_space<hbm>>) target_semaphore(%run_scoped3A : memref<!tpu.dma_semaphore, #tpu.memory_space<semaphore_mem>>)
      %dma_wait3A = arith.constant 0 : i32
      %dma_wait3A_69 = tpu.memref_slice %arg4[%add3A_43, %dma_wait3A] : memref<4096x768xf32, #tpu.memory_space<hbm>> -> memref<16x768xf32, #tpu.memory_space<hbm>>
      %dma_wait3A_70 = arith.constant 0 : i32
      %dma_wait3A_71 = tpu.memref_slice %arg4[%add3A_43, %dma_wait3A_70] : memref<4096x768xf32, #tpu.memory_space<hbm>> -> memref<16x768xf32, #tpu.memory_space<hbm>>
      tpu.wait_dma2 semaphore(%run_scoped3A : memref<!tpu.dma_semaphore, #tpu.memory_space<semaphore_mem>>) src(%arg7 : memref<16x768xf32, #tpu.memory_space<vmem>>) dst(%dma_wait3A_71 : memref<16x768xf32, #tpu.memory_space<hbm>>)
      tpu.yield
    }) : () -> ()
    %add3A_50 = arith.constant 96 : i32
    %add3A_51 = arith.addi %mul3A_2, %add3A_50 : i32
    "tpu.region"() ({
      %run_scoped3A = tpu.sem_alloc : memref<!tpu.dma_semaphore, #tpu.memory_space<semaphore_mem>>
      %dma_start3A = arith.constant 0 : i32
      %dma_start3A_66 = tpu.memref_slice %arg2[%add3A_51, %dma_start3A] : memref<4096x768xf32, #tpu.memory_space<hbm>> -> memref<16x768xf32, #tpu.memory_space<hbm>>
      %dma_start3A_67 = arith.constant 0 : i32
      %dma_start3A_68 = tpu.memref_slice %arg2[%add3A_51, %dma_start3A_67] : memref<4096x768xf32, #tpu.memory_space<hbm>> -> memref<16x768xf32, #tpu.memory_space<hbm>>
      tpu.enqueue_dma source(%dma_start3A_68 : memref<16x768xf32, #tpu.memory_space<hbm>>) target(%arg5 : memref<16x768xf32, #tpu.memory_space<vmem>>) target_semaphore(%run_scoped3A : memref<!tpu.dma_semaphore, #tpu.memory_space<semaphore_mem>>)
      %dma_wait3A = arith.constant 0 : i32
      %dma_wait3A_69 = tpu.memref_slice %arg2[%add3A_51, %dma_wait3A] : memref<4096x768xf32, #tpu.memory_space<hbm>> -> memref<16x768xf32, #tpu.memory_space<hbm>>
      %dma_wait3A_70 = arith.constant 0 : i32
      %dma_wait3A_71 = tpu.memref_slice %arg2[%add3A_51, %dma_wait3A_70] : memref<4096x768xf32, #tpu.memory_space<hbm>> -> memref<16x768xf32, #tpu.memory_space<hbm>>
      tpu.wait_dma2 semaphore(%run_scoped3A : memref<!tpu.dma_semaphore, #tpu.memory_space<semaphore_mem>>) src(%dma_wait3A_71 : memref<16x768xf32, #tpu.memory_space<hbm>>) dst(%arg5 : memref<16x768xf32, #tpu.memory_space<vmem>>)
      tpu.yield
    }) : () -> ()
    "tpu.region"() ({
      %run_scoped3A = tpu.sem_alloc : memref<!tpu.dma_semaphore, #tpu.memory_space<semaphore_mem>>
      %dma_start3A = arith.constant 0 : i32
      %dma_start3A_66 = tpu.memref_slice %arg3[%add3A_51, %dma_start3A] : memref<4096x768xf32, #tpu.memory_space<hbm>> -> memref<16x768xf32, #tpu.memory_space<hbm>>
      %dma_start3A_67 = arith.constant 0 : i32
      %dma_start3A_68 = tpu.memref_slice %arg3[%add3A_51, %dma_start3A_67] : memref<4096x768xf32, #tpu.memory_space<hbm>> -> memref<16x768xf32, #tpu.memory_space<hbm>>
      tpu.enqueue_dma source(%dma_start3A_68 : memref<16x768xf32, #tpu.memory_space<hbm>>) target(%arg6 : memref<16x768xf32, #tpu.memory_space<vmem>>) target_semaphore(%run_scoped3A : memref<!tpu.dma_semaphore, #tpu.memory_space<semaphore_mem>>)
      %dma_wait3A = arith.constant 0 : i32
      %dma_wait3A_69 = tpu.memref_slice %arg3[%add3A_51, %dma_wait3A] : memref<4096x768xf32, #tpu.memory_space<hbm>> -> memref<16x768xf32, #tpu.memory_space<hbm>>
      %dma_wait3A_70 = arith.constant 0 : i32
      %dma_wait3A_71 = tpu.memref_slice %arg3[%add3A_51, %dma_wait3A_70] : memref<4096x768xf32, #tpu.memory_space<hbm>> -> memref<16x768xf32, #tpu.memory_space<hbm>>
      tpu.wait_dma2 semaphore(%run_scoped3A : memref<!tpu.dma_semaphore, #tpu.memory_space<semaphore_mem>>) src(%dma_wait3A_71 : memref<16x768xf32, #tpu.memory_space<hbm>>) dst(%arg6 : memref<16x768xf32, #tpu.memory_space<vmem>>)
      tpu.yield
    }) : () -> ()
    %scan3A_52 = arith.constant 0 : i32
    %scan3A_53 = arith.constant 0 : i32
    %scan3A_54 = arith.constant 16 : i32
    %scan3A_55 = arith.addi %scan3A_53, %scan3A_54 : i32
    %scan3A_56 = arith.constant 1 : i32
    scf.for %scan3A_66 = %scan3A_53 to %scan3A_55 step %scan3A_56  : i32 {
      %scan3A_67 = arith.constant 0 : i32
      %scan3A_68 = arith.constant 24 : i32
      %scan3A_69 = arith.addi %scan3A_67, %scan3A_68 : i32
      %scan3A_70 = arith.constant 1 : i32
      scf.for %scan3A_72 = %scan3A_67 to %scan3A_69 step %scan3A_70  : i32 {
        %mul3A_73 = arith.constant 16 : i32
        %mul3A_74 = arith.muli %scan3A_72, %mul3A_73 : i32
        %get3A = arith.index_cast %scan3A_66 : i32 to index
        %get3A_75 = arith.index_cast %mul3A_74 : i32 to index
        %get3A_76 = tpu.vector_load %arg5[%get3A, %get3A_75] {strides = array<i32>} : memref<16x768xf32, #tpu.memory_space<vmem>>, vector<1x16xf32>,
        %get3A_77 = vector.shape_cast %get3A_76 : vector<1x16xf32> to vector<16xf32>
        %add3A_78 = arith.constant 384 : i32
        %add3A_79 = arith.addi %mul3A_74, %add3A_78 : i32
        %get3A_80 = arith.index_cast %scan3A_66 : i32 to index
        %get3A_81 = arith.index_cast %add3A_79 : i32 to index
        %get3A_82 = tpu.vector_load %arg5[%get3A_80, %get3A_81] {strides = array<i32>} : memref<16x768xf32, #tpu.memory_space<vmem>>, vector<1x16xf32>,
        %get3A_83 = vector.shape_cast %get3A_82 : vector<1x16xf32> to vector<16xf32>
        %get3A_84 = arith.index_cast %scan3A_66 : i32 to index
        %get3A_85 = arith.index_cast %mul3A_74 : i32 to index
        %get3A_86 = tpu.vector_load %arg6[%get3A_84, %get3A_85] {strides = array<i32>} : memref<16x768xf32, #tpu.memory_space<vmem>>, vector<1x16xf32>,
        %get3A_87 = vector.shape_cast %get3A_86 : vector<1x16xf32> to vector<16xf32>
        %add3A_88 = arith.constant 384 : i32
        %add3A_89 = arith.addi %mul3A_74, %add3A_88 : i32
        %get3A_90 = arith.index_cast %scan3A_66 : i32 to index
        %get3A_91 = arith.index_cast %add3A_89 : i32 to index
        %get3A_92 = tpu.vector_load %arg6[%get3A_90, %get3A_91] {strides = array<i32>} : memref<16x768xf32, #tpu.memory_space<vmem>>, vector<1x16xf32>,
        %get3A_93 = vector.shape_cast %get3A_92 : vector<1x16xf32> to vector<16xf32>
        %sub3A = arith.subf %get3A_77, %get3A_83 : vector<16xf32>
        %sub3A_94 = arith.subf %get3A_87, %get3A_93 : vector<16xf32>
        %add3A_95 = arith.addf %sub3A, %sub3A_94 : vector<16xf32>
        %mul3A_96 = arith.constant 2.500000e-02 : f32
        %mul3A_97 = vector.broadcast %mul3A_96 : f32 to vector<16xf32>
        %mul3A_98 = arith.mulf %add3A_95, %mul3A_97 : vector<16xf32>
        %add3A_99 = arith.constant 2.000000e+00 : f32
        %add3A_100 = vector.broadcast %add3A_99 : f32 to vector<16xf32>
        %add3A_101 = arith.addf %mul3A_98, %add3A_100 : vector<16xf32>
        %min3A = arith.constant 2.000000e+00 : f32
        %min3A_102 = vector.broadcast %min3A : f32 to vector<16xf32>
        %min3A_103 = arith.minimumf %add3A_101, %min3A_102 : vector<16xf32>
        %swap3A = arith.index_cast %scan3A_66 : i32 to index
        %swap3A_104 = arith.index_cast %mul3A_74 : i32 to index
        %swap3A_105 = tpu.vector_load %arg7[%swap3A, %swap3A_104] {strides = array<i32>} : memref<16x768xf32, #tpu.memory_space<vmem>>, vector<1x16xf32>,
        %swap3A_106 = vector.shape_cast %swap3A_105 : vector<1x16xf32> to vector<16xf32>
        %swap3A_107 = vector.shape_cast %min3A_103 : vector<16xf32> to vector<1x16xf32>
        tpu.vector_store %arg7[%swap3A, %swap3A_104], %swap3A_107 {strides = array<i32>} : memref<16x768xf32, #tpu.memory_space<vmem>>, vector<1x16xf32>,
        %sub3A_108 = arith.constant 2.000000e+00 : f32
        %sub3A_109 = vector.broadcast %sub3A_108 : f32 to vector<16xf32>
        %sub3A_110 = arith.subf %sub3A_109, %mul3A_98 : vector<16xf32>
        %min3A_111 = arith.constant 2.000000e+00 : f32
        %min3A_112 = vector.broadcast %min3A_111 : f32 to vector<16xf32>
        %min3A_113 = arith.minimumf %sub3A_110, %min3A_112 : vector<16xf32>
        %add3A_114 = arith.constant 384 : i32
        %add3A_115 = arith.addi %mul3A_74, %add3A_114 : i32
        %swap3A_116 = arith.index_cast %scan3A_66 : i32 to index
        %swap3A_117 = arith.index_cast %add3A_115 : i32 to index
        %swap3A_118 = tpu.vector_load %arg7[%swap3A_116, %swap3A_117] {strides = array<i32>} : memref<16x768xf32, #tpu.memory_space<vmem>>, vector<1x16xf32>,
        %swap3A_119 = vector.shape_cast %swap3A_118 : vector<1x16xf32> to vector<16xf32>
        %swap3A_120 = vector.shape_cast %min3A_113 : vector<16xf32> to vector<1x16xf32>
        tpu.vector_store %arg7[%swap3A_116, %swap3A_117], %swap3A_120 {strides = array<i32>} : memref<16x768xf32, #tpu.memory_space<vmem>>, vector<1x16xf32>,
      }
      %scan3A_71 = arith.constant 24 : i32
    }
    %scan3A_57 = arith.constant 16 : i32
    "tpu.region"() ({
      %run_scoped3A = tpu.sem_alloc : memref<!tpu.dma_semaphore, #tpu.memory_space<semaphore_mem>>
      %dma_start3A = arith.constant 0 : i32
      %dma_start3A_66 = tpu.memref_slice %arg4[%add3A_51, %dma_start3A] : memref<4096x768xf32, #tpu.memory_space<hbm>> -> memref<16x768xf32, #tpu.memory_space<hbm>>
      %dma_start3A_67 = arith.constant 0 : i32
      %dma_start3A_68 = tpu.memref_slice %arg4[%add3A_51, %dma_start3A_67] : memref<4096x768xf32, #tpu.memory_space<hbm>> -> memref<16x768xf32, #tpu.memory_space<hbm>>
      tpu.enqueue_dma source(%arg7 : memref<16x768xf32, #tpu.memory_space<vmem>>) target(%dma_start3A_68 : memref<16x768xf32, #tpu.memory_space<hbm>>) target_semaphore(%run_scoped3A : memref<!tpu.dma_semaphore, #tpu.memory_space<semaphore_mem>>)
      %dma_wait3A = arith.constant 0 : i32
      %dma_wait3A_69 = tpu.memref_slice %arg4[%add3A_51, %dma_wait3A] : memref<4096x768xf32, #tpu.memory_space<hbm>> -> memref<16x768xf32, #tpu.memory_space<hbm>>
      %dma_wait3A_70 = arith.constant 0 : i32
      %dma_wait3A_71 = tpu.memref_slice %arg4[%add3A_51, %dma_wait3A_70] : memref<4096x768xf32, #tpu.memory_space<hbm>> -> memref<16x768xf32, #tpu.memory_space<hbm>>
      tpu.wait_dma2 semaphore(%run_scoped3A : memref<!tpu.dma_semaphore, #tpu.memory_space<semaphore_mem>>) src(%arg7 : memref<16x768xf32, #tpu.memory_space<vmem>>) dst(%dma_wait3A_71 : memref<16x768xf32, #tpu.memory_space<hbm>>)
      tpu.yield
    }) : () -> ()
    %add3A_58 = arith.constant 112 : i32
    %add3A_59 = arith.addi %mul3A_2, %add3A_58 : i32
    "tpu.region"() ({
      %run_scoped3A = tpu.sem_alloc : memref<!tpu.dma_semaphore, #tpu.memory_space<semaphore_mem>>
      %dma_start3A = arith.constant 0 : i32
      %dma_start3A_66 = tpu.memref_slice %arg2[%add3A_59, %dma_start3A] : memref<4096x768xf32, #tpu.memory_space<hbm>> -> memref<16x768xf32, #tpu.memory_space<hbm>>
      %dma_start3A_67 = arith.constant 0 : i32
      %dma_start3A_68 = tpu.memref_slice %arg2[%add3A_59, %dma_start3A_67] : memref<4096x768xf32, #tpu.memory_space<hbm>> -> memref<16x768xf32, #tpu.memory_space<hbm>>
      tpu.enqueue_dma source(%dma_start3A_68 : memref<16x768xf32, #tpu.memory_space<hbm>>) target(%arg5 : memref<16x768xf32, #tpu.memory_space<vmem>>) target_semaphore(%run_scoped3A : memref<!tpu.dma_semaphore, #tpu.memory_space<semaphore_mem>>)
      %dma_wait3A = arith.constant 0 : i32
      %dma_wait3A_69 = tpu.memref_slice %arg2[%add3A_59, %dma_wait3A] : memref<4096x768xf32, #tpu.memory_space<hbm>> -> memref<16x768xf32, #tpu.memory_space<hbm>>
      %dma_wait3A_70 = arith.constant 0 : i32
      %dma_wait3A_71 = tpu.memref_slice %arg2[%add3A_59, %dma_wait3A_70] : memref<4096x768xf32, #tpu.memory_space<hbm>> -> memref<16x768xf32, #tpu.memory_space<hbm>>
      tpu.wait_dma2 semaphore(%run_scoped3A : memref<!tpu.dma_semaphore, #tpu.memory_space<semaphore_mem>>) src(%dma_wait3A_71 : memref<16x768xf32, #tpu.memory_space<hbm>>) dst(%arg5 : memref<16x768xf32, #tpu.memory_space<vmem>>)
      tpu.yield
    }) : () -> ()
    "tpu.region"() ({
      %run_scoped3A = tpu.sem_alloc : memref<!tpu.dma_semaphore, #tpu.memory_space<semaphore_mem>>
      %dma_start3A = arith.constant 0 : i32
      %dma_start3A_66 = tpu.memref_slice %arg3[%add3A_59, %dma_start3A] : memref<4096x768xf32, #tpu.memory_space<hbm>> -> memref<16x768xf32, #tpu.memory_space<hbm>>
      %dma_start3A_67 = arith.constant 0 : i32
      %dma_start3A_68 = tpu.memref_slice %arg3[%add3A_59, %dma_start3A_67] : memref<4096x768xf32, #tpu.memory_space<hbm>> -> memref<16x768xf32, #tpu.memory_space<hbm>>
      tpu.enqueue_dma source(%dma_start3A_68 : memref<16x768xf32, #tpu.memory_space<hbm>>) target(%arg6 : memref<16x768xf32, #tpu.memory_space<vmem>>) target_semaphore(%run_scoped3A : memref<!tpu.dma_semaphore, #tpu.memory_space<semaphore_mem>>)
      %dma_wait3A = arith.constant 0 : i32
      %dma_wait3A_69 = tpu.memref_slice %arg3[%add3A_59, %dma_wait3A] : memref<4096x768xf32, #tpu.memory_space<hbm>> -> memref<16x768xf32, #tpu.memory_space<hbm>>
      %dma_wait3A_70 = arith.constant 0 : i32
      %dma_wait3A_71 = tpu.memref_slice %arg3[%add3A_59, %dma_wait3A_70] : memref<4096x768xf32, #tpu.memory_space<hbm>> -> memref<16x768xf32, #tpu.memory_space<hbm>>
      tpu.wait_dma2 semaphore(%run_scoped3A : memref<!tpu.dma_semaphore, #tpu.memory_space<semaphore_mem>>) src(%dma_wait3A_71 : memref<16x768xf32, #tpu.memory_space<hbm>>) dst(%arg6 : memref<16x768xf32, #tpu.memory_space<vmem>>)
      tpu.yield
    }) : () -> ()
    %scan3A_60 = arith.constant 0 : i32
    %scan3A_61 = arith.constant 0 : i32
    %scan3A_62 = arith.constant 16 : i32
    %scan3A_63 = arith.addi %scan3A_61, %scan3A_62 : i32
    %scan3A_64 = arith.constant 1 : i32
    scf.for %scan3A_66 = %scan3A_61 to %scan3A_63 step %scan3A_64  : i32 {
      %scan3A_67 = arith.constant 0 : i32
      %scan3A_68 = arith.constant 24 : i32
      %scan3A_69 = arith.addi %scan3A_67, %scan3A_68 : i32
      %scan3A_70 = arith.constant 1 : i32
      scf.for %scan3A_72 = %scan3A_67 to %scan3A_69 step %scan3A_70  : i32 {
        %mul3A_73 = arith.constant 16 : i32
        %mul3A_74 = arith.muli %scan3A_72, %mul3A_73 : i32
        %get3A = arith.index_cast %scan3A_66 : i32 to index
        %get3A_75 = arith.index_cast %mul3A_74 : i32 to index
        %get3A_76 = tpu.vector_load %arg5[%get3A, %get3A_75] {strides = array<i32>} : memref<16x768xf32, #tpu.memory_space<vmem>>, vector<1x16xf32>,
        %get3A_77 = vector.shape_cast %get3A_76 : vector<1x16xf32> to vector<16xf32>
        %add3A_78 = arith.constant 384 : i32
        %add3A_79 = arith.addi %mul3A_74, %add3A_78 : i32
        %get3A_80 = arith.index_cast %scan3A_66 : i32 to index
        %get3A_81 = arith.index_cast %add3A_79 : i32 to index
        %get3A_82 = tpu.vector_load %arg5[%get3A_80, %get3A_81] {strides = array<i32>} : memref<16x768xf32, #tpu.memory_space<vmem>>, vector<1x16xf32>,
        %get3A_83 = vector.shape_cast %get3A_82 : vector<1x16xf32> to vector<16xf32>
        %get3A_84 = arith.index_cast %scan3A_66 : i32 to index
        %get3A_85 = arith.index_cast %mul3A_74 : i32 to index
        %get3A_86 = tpu.vector_load %arg6[%get3A_84, %get3A_85] {strides = array<i32>} : memref<16x768xf32, #tpu.memory_space<vmem>>, vector<1x16xf32>,
        %get3A_87 = vector.shape_cast %get3A_86 : vector<1x16xf32> to vector<16xf32>
        %add3A_88 = arith.constant 384 : i32
        %add3A_89 = arith.addi %mul3A_74, %add3A_88 : i32
        %get3A_90 = arith.index_cast %scan3A_66 : i32 to index
        %get3A_91 = arith.index_cast %add3A_89 : i32 to index
        %get3A_92 = tpu.vector_load %arg6[%get3A_90, %get3A_91] {strides = array<i32>} : memref<16x768xf32, #tpu.memory_space<vmem>>, vector<1x16xf32>,
        %get3A_93 = vector.shape_cast %get3A_92 : vector<1x16xf32> to vector<16xf32>
        %sub3A = arith.subf %get3A_77, %get3A_83 : vector<16xf32>
        %sub3A_94 = arith.subf %get3A_87, %get3A_93 : vector<16xf32>
        %add3A_95 = arith.addf %sub3A, %sub3A_94 : vector<16xf32>
        %mul3A_96 = arith.constant 2.500000e-02 : f32
        %mul3A_97 = vector.broadcast %mul3A_96 : f32 to vector<16xf32>
        %mul3A_98 = arith.mulf %add3A_95, %mul3A_97 : vector<16xf32>
        %add3A_99 = arith.constant 2.000000e+00 : f32
        %add3A_100 = vector.broadcast %add3A_99 : f32 to vector<16xf32>
        %add3A_101 = arith.addf %mul3A_98, %add3A_100 : vector<16xf32>
        %min3A = arith.constant 2.000000e+00 : f32
        %min3A_102 = vector.broadcast %min3A : f32 to vector<16xf32>
        %min3A_103 = arith.minimumf %add3A_101, %min3A_102 : vector<16xf32>
        %swap3A = arith.index_cast %scan3A_66 : i32 to index
        %swap3A_104 = arith.index_cast %mul3A_74 : i32 to index
        %swap3A_105 = tpu.vector_load %arg7[%swap3A, %swap3A_104] {strides = array<i32>} : memref<16x768xf32, #tpu.memory_space<vmem>>, vector<1x16xf32>,
        %swap3A_106 = vector.shape_cast %swap3A_105 : vector<1x16xf32> to vector<16xf32>
        %swap3A_107 = vector.shape_cast %min3A_103 : vector<16xf32> to vector<1x16xf32>
        tpu.vector_store %arg7[%swap3A, %swap3A_104], %swap3A_107 {strides = array<i32>} : memref<16x768xf32, #tpu.memory_space<vmem>>, vector<1x16xf32>,
        %sub3A_108 = arith.constant 2.000000e+00 : f32
        %sub3A_109 = vector.broadcast %sub3A_108 : f32 to vector<16xf32>
        %sub3A_110 = arith.subf %sub3A_109, %mul3A_98 : vector<16xf32>
        %min3A_111 = arith.constant 2.000000e+00 : f32
        %min3A_112 = vector.broadcast %min3A_111 : f32 to vector<16xf32>
        %min3A_113 = arith.minimumf %sub3A_110, %min3A_112 : vector<16xf32>
        %add3A_114 = arith.constant 384 : i32
        %add3A_115 = arith.addi %mul3A_74, %add3A_114 : i32
        %swap3A_116 = arith.index_cast %scan3A_66 : i32 to index
        %swap3A_117 = arith.index_cast %add3A_115 : i32 to index
        %swap3A_118 = tpu.vector_load %arg7[%swap3A_116, %swap3A_117] {strides = array<i32>} : memref<16x768xf32, #tpu.memory_space<vmem>>, vector<1x16xf32>,
        %swap3A_119 = vector.shape_cast %swap3A_118 : vector<1x16xf32> to vector<16xf32>
        %swap3A_120 = vector.shape_cast %min3A_113 : vector<16xf32> to vector<1x16xf32>
        tpu.vector_store %arg7[%swap3A_116, %swap3A_117], %swap3A_120 {strides = array<i32>} : memref<16x768xf32, #tpu.memory_space<vmem>>, vector<1x16xf32>,
      }
      %scan3A_71 = arith.constant 24 : i32
    }
    %scan3A_65 = arith.constant 16 : i32
    "tpu.region"() ({
      %run_scoped3A = tpu.sem_alloc : memref<!tpu.dma_semaphore, #tpu.memory_space<semaphore_mem>>
      %dma_start3A = arith.constant 0 : i32
      %dma_start3A_66 = tpu.memref_slice %arg4[%add3A_59, %dma_start3A] : memref<4096x768xf32, #tpu.memory_space<hbm>> -> memref<16x768xf32, #tpu.memory_space<hbm>>
      %dma_start3A_67 = arith.constant 0 : i32
      %dma_start3A_68 = tpu.memref_slice %arg4[%add3A_59, %dma_start3A_67] : memref<4096x768xf32, #tpu.memory_space<hbm>> -> memref<16x768xf32, #tpu.memory_space<hbm>>
      tpu.enqueue_dma source(%arg7 : memref<16x768xf32, #tpu.memory_space<vmem>>) target(%dma_start3A_68 : memref<16x768xf32, #tpu.memory_space<hbm>>) target_semaphore(%run_scoped3A : memref<!tpu.dma_semaphore, #tpu.memory_space<semaphore_mem>>)
      %dma_wait3A = arith.constant 0 : i32
      %dma_wait3A_69 = tpu.memref_slice %arg4[%add3A_59, %dma_wait3A] : memref<4096x768xf32, #tpu.memory_space<hbm>> -> memref<16x768xf32, #tpu.memory_space<hbm>>
      %dma_wait3A_70 = arith.constant 0 : i32
      %dma_wait3A_71 = tpu.memref_slice %arg4[%add3A_59, %dma_wait3A_70] : memref<4096x768xf32, #tpu.memory_space<hbm>> -> memref<16x768xf32, #tpu.memory_space<hbm>>
      tpu.wait_dma2 semaphore(%run_scoped3A : memref<!tpu.dma_semaphore, #tpu.memory_space<semaphore_mem>>) src(%arg7 : memref<16x768xf32, #tpu.memory_space<vmem>>) dst(%dma_wait3A_71 : memref<16x768xf32, #tpu.memory_space<hbm>>)
      tpu.yield
    }) : () -> ()
    return
  }
}

</mosaic_0001>

<sc_bundles>
// kernel: kernel.3.cloned.1.call-start
scs
__scs_entry_jumppad:
0x0: {  	(pc) =	sbr.rel $0x88, $3  }
0x1: {  	(tag) =	ssettag $0x0;
	lr =	simm.s32 $0x1  }
0x2: {  	[smem:$0x3F9F] =	sst lr;
	_ =	strace $0xD0000000  }
0x3: {  	_ = 	snop  }
0x4: {  	_ = 	snop  }
0x5: {  	_ = 	snop  }
0x6: {  	_ = 	snop  }
0x7: {  	_ = 	snop  }
__scs_overlays_trampoline_lowered:
0x8: {  	[smem:$0x3FAE] =	sst s0  }
0x9: {  	[smem:$0x3FAF] =	sst s1  }
0xa: {  	[smem:$0x3FB0] =	sst s2  }
0xb: {  	[smem:$0x3FB1] =	sst s3  }
0xc: {  	[smem:$0x3FB2] =	sst s4  }
0xd: {  	[smem:$0x3FB3] =	sst s5  }
0xe: {  	[smem:$0x3FB4] =	sst s6  }
0xf: {  	[smem:$0x3FB5] =	sst s7  }
0x10: {  	[smem:$0x3FB6] =	sst s8  }
0x11: {  	[smem:$0x3FB7] =	sst s9;
	s0 =	simm.s32 @!p0 $0x0  }
0x12: {  	s1 =	sld [smem:$0x3F9D];
	s0 =	simm.s32 @p0 $0x1  }
0x13: {  	[smem:$0x3FB8] =	sst s0;
	s0 =	simm.s32 @!p1 $0x0  }
0x14: {  	s2 =	sld [smem:$0x3F9C];
	s0 =	simm.s32 @p1 $0x1  }
0x15: {  	[smem:$0x3FB9] =	sst s0;
	s0 =	simm.s32 @!p2 $0x0  }
0x16: {  	s3 =	sld [smem:$0x3FDB];
	s0 =	simm.s32 @p2 $0x1  }
0x17: {  	s4 =	simm.s32 $0x1BF5;
	[smem:$0x3FBB] =	sst s0  }
0x18: {  	s0 =	sld [smem:$0x3F9E];
	_ =	swait.ge [sflag:s4], $0x0  }
0x19: {  	s7 =	sld [smem:$0x3F9F]  }
0x1a: {  	s8 =	sadd.s32 $0xFFFFE003, lr  }
0x1b: {  	s9 =	sadd.s32 $0xFFFFFEF7, lr;
	s5 =	simm.s32 $0xFFFFFFFF;
	p2 =	slt.u32 s8, $0xFFFFF086  }
0x1c: {  	p1 =	slt.u32 s9, $0xF7A;
	s5 =	simm.s32 @!p2 $0x0  }
0x1d: {  	s5 =	simm.s32 @p1 $0x1;
	p0 =	seq.s32 s7, s2  }
0x1e: {  	s7 =	smul.u32 @!p0 $0xF7A, s2;
	p2 =	seq.s32 @!p0 s5, $0x0  }
0x1f: {  	s9 =	smul.u32 $0xF7A, s1;
	s8 =	simm.s32 @!p0 $0x1BF5;
	p2 =	por !p2, p0  }
0x20: {  	[sflag:s8] =	ssyncset.s32 @!p0 $0xFFFFF086;
	s6 =	sadd.s32 @!p0 s3, s7;
	s7 =	simm.s32 @!p0 $0x108  }
0x21: {  	s3 =	sadd.s32 s3, s9;
	s6 =	sadd.s32 @!p0 $0x88, s6;
	s7 =	simm.s32 @p2 $0x1082  }
0x22: {  	[simem:s7], [sflag:s8] =	dma.local @!p0 [hbm:s6], $0xF7A  }
0x23: {  	s9 =	sor.u32 $0xD0000000, s2;
	s6 =	simm.s32 $0x108;
	_ =	swait.ge @!p0 [sflag:s8], $0x0  }
0x24: {  	s3 =	sadd.s32 $0x88, s3;
	s6 =	simm.s32 @!p1 $0x1082;
	[sflag:s4] =	ssyncset.s32 $0xFFFFF086  }
0x25: {  	[simem:s6], [sflag:s4] =	dma.local [hbm:s3], $0xF7A  }
0x26: {  	[smem:$0x3F9F] =	sst s1;
	(tag) =	ssettag s2;
	_ =	strace s9  }
0x27: {  	s1 =	sld [smem:$0x3FAF]  }
0x28: {  	s2 =	sld [smem:$0x3FB0]  }
0x29: {  	s4 =	sld [smem:$0x3FB2]  }
0x2a: {  	p0 =	seq.s32 s5, $0x0;
	s5 =	sld [smem:$0x3FB3]  }
0x2b: {  	s6 =	sld [smem:$0x3FB4]  }
0x2c: {  	s7 =	sld [smem:$0x3FB5]  }
0x2d: {  	s3 =	simm.s32 $0x108;
	s8 =	sld [smem:$0x3FB6]  }
0x2e: {  	s3 =	simm.s32 @!p0 $0x1082;
	s9 =	sld [smem:$0x3FB7]  }
0x2f: {  	lr =	sadd.s32 s0, s3;
	s0 =	sld [smem:$0x3FAE]  }
0x30: {  	s3 =	sld [smem:$0x3FB1]  }
0x31: {  	[smem:$0x3FBA] =	sst s10  }
0x32: {  	s10 =	sld [smem:$0x3FB8];
	_ =	sdelay $0x3  }
0x33: {  	p0 =	seq.s32 s10, $0x1;
	s10 =	sld [smem:$0x3FBA];
	_ =	sdelay $0x3  }
0x34: {  	[smem:$0x3FBA] =	sst s10  }
0x35: {  	s10 =	sld [smem:$0x3FB9];
	_ =	sdelay $0x3  }
0x36: {  	p1 =	seq.s32 s10, $0x1;
	s10 =	sld [smem:$0x3FBA];
	_ =	sdelay $0x3  }
0x37: {  	[smem:$0x3FBA] =	sst s10  }
0x38: {  	s10 =	sld [smem:$0x3FBB]  }
0x39: {  	_ = 	snop;
	(pc) =	sbr.ind lr, $3  }
0x3a: {  	_ = 	snop  }
0x3b: {  	_ = 	snop  }
0x3c: {  	p2 =	seq.s32 s10, $0x1;
	s10 =	sld [smem:$0x3FBA]  }
0x3d: {  	_ =	shalt  }
0x3e: {  	_ =	shalt  }
0x3f: {  	_ =	shalt  }
0x40: {  	_ =	shalt  }
0x41: {  	_ =	shalt  }
0x42: {  	_ =	shalt  }
0x43: {  	_ =	shalt  }
0x44: {  	_ =	shalt  }
0x45: {  	_ =	shalt  }
0x46: {  	_ =	shalt  }
0x47: {  	_ =	shalt  }
0x48: {  	_ =	shalt  }
0x49: {  	_ =	shalt  }
0x4a: {  	_ =	shalt  }
0x4b: {  	_ =	shalt  }
0x4c: {  	_ =	shalt  }
0x4d: {  	_ =	shalt  }
0x4e: {  	_ =	shalt  }
0x4f: {  	_ =	shalt  }
0x50: {  	_ =	shalt  }
0x51: {  	_ =	shalt  }
0x52: {  	_ =	shalt  }
0x53: {  	_ =	shalt  }
0x54: {  	_ =	shalt  }
0x55: {  	_ =	shalt  }
0x56: {  	_ =	shalt  }
0x57: {  	_ =	shalt  }
0x58: {  	_ =	shalt  }
0x59: {  	_ =	shalt  }
0x5a: {  	_ =	shalt  }
0x5b: {  	_ =	shalt  }
0x5c: {  	_ =	shalt  }
0x5d: {  	_ =	shalt  }
0x5e: {  	_ =	shalt  }
0x5f: {  	_ =	shalt  }
0x60: {  	_ =	shalt  }
0x61: {  	_ =	shalt  }
0x62: {  	_ =	shalt  }
0x63: {  	_ =	shalt  }
0x64: {  	_ =	shalt  }
0x65: {  	_ =	shalt  }
0x66: {  	_ =	shalt  }
0x67: {  	_ =	shalt  }
0x68: {  	_ =	shalt  }
0x69: {  	_ =	shalt  }
0x6a: {  	_ =	shalt  }
0x6b: {  	_ =	shalt  }
0x6c: {  	_ =	shalt  }
0x6d: {  	_ =	shalt  }
0x6e: {  	_ =	shalt  }
0x6f: {  	_ =	shalt  }
0x70: {  	_ =	shalt  }
0x71: {  	_ =	shalt  }
0x72: {  	_ =	shalt  }
0x73: {  	_ =	shalt  }
0x74: {  	_ =	shalt  }
0x75: {  	_ =	shalt  }
0x76: {  	_ =	shalt  }
0x77: {  	_ =	shalt  }
0x78: {  	_ =	shalt  }
0x79: {  	_ =	shalt  }
0x7a: {  	_ =	shalt  }
0x7b: {  	_ =	shalt  }
0x7c: {  	_ =	shalt  }
0x7d: {  	_ =	shalt  }
0x7e: {  	_ =	shalt  }
0x7f: {  	_ =	shalt  }
0x80: {  	_ =	shalt  }
0x81: {  	_ =	shalt  }
0x82: {  	_ =	shalt  }
0x83: {  	_ =	shalt  }
0x84: {  	_ =	shalt  }
0x85: {  	_ =	shalt  }
0x86: {  	_ =	shalt  }
0x87: {  	_ =	shalt  }
.Lfunc_end0:
.L_simem_size_0:
called_computation_lowered:
.L_overlay_start_0:
0x88: {  	s2 =	sld [smem:$0x3FD9]  }
0x89: {  	s3 =	sld [smem:$0x3FFE];
	_ =	sdelay $0x1  }
0x8a: {  	s1 =	srdreg.scid  }
0x8b: {  	s0 =	sand.u32 $0x1, s1  }
0x8c: {  	s18 =	sshll.u32 s0, $0xA;
	s2 =	sadd.s32 s3, s2  }
0x8d: {  	s2 =	sadd.s32 s2, s18  }
0x8e: {  	[smem:$0x3FC6] =	sst s2  }
0x8f: {  	_ = 	snop  }
0x90: {  	s2 =	sld [smem:$0x3FC9]  }
0x91: {  	s19 =	sld [smem:$0x3FC8]  }
0x92: {  	s4 =	sld [smem:$0x3FD0];
	(tm) =	ssettm $0x1  }
0x93: {  	s5 =	sld [smem:$0x3FFB];
	_ =	sdelay $0x3  }
0x94: {  	_ =	strace s5  }
0x95: {  	s5 =	sld [smem:$0x3FFC];
	_ =	sdelay $0x3  }
0x96: {  	_ =	strace s5  }
0x97: {  	s5 =	sld [smem:$0x3FFD];
	_ =	sdelay $0x3  }
0x98: {  	_ =	strace s5  }
0x99: {  	_ =	strace $0x8FFFFFFF  }
0x9a: {  	s20 =	sld [smem:$0x3FDB];
	_ =	sdelay $0x1  }
0x9b: {  	s6 =	simm.s32 $_scs_section_size  }
0x9c: {  	s7 =	simm.s32 $_size__tile_overlayer_lowered;
	s8 =	simm.s32 $_tile_overlayer_lowered  }
0x9d: {  	s23 =	simm.s32 $0x1BFF;
	s22 =	sshll.u32 s8, $0x1;
	s5 =	sadd.s32 s6, s20  }
0x9e: {  	s9 =	simm.s32 $0x0;
	s21 =	sshll.u32 s7, $0x1;
	s7 =	sadd.s32 s22, s5  }
0x9f: {  	[timem:s9], [sflag:s23] =	dma.local [hbm:s7], s21  }
0xa0: {  	_ =	swait.ge [sflag:s23], s21  }
0xa1: {  	s6 =	ssub.s32 $0x0, s21;
	[sflag:s23] =	ssyncset.done $0x0  }
0xa2: {  	[sflag:s23] =	ssyncadd.s32 s6;
	_ =	sdelay $0x1  }
0xa3: {  	s24 =	simm.s32 $0x1B8B  }
0xa4: {  	_ =	swait.ge [sflag:s24], $0x1  }
0xa5: {  	[sflag:s24] =	ssyncset.done $0x0  }
0xa6: {  	s25 =	simm.s32 $0x1B8E;
	[sflag:s24] =	ssyncadd.s32 $0xFFFFFFFF  }
0xa7: {  	s26 =	simm.s32 $execute0_lowered;
	[smem:$0x3FD2] =	sst s25  }
0xa8: {  	s6 =	sshll.u32 s26, $0x1;
	_ =	strace $0x80000046;
	[dreg:$0x1] =	wrdreg $0xFFFFFFFF  }
0xa9: {  	s28 =	simm.s32 $_size_execute0_lowered;
	s5 =	sadd.s32 s5, s6;
	[dreg:$0x0] =	wrdreg $0x0  }
0xaa: {  	s6 =	sshll.u32 s28, $0x1;
	[dreg:$0x2] =	wrdreg s5  }
0xab: {  	[dreg:$0x3] =	wrdreg s6  }
0xac: {  	[dreg:$0x4] =	wrdreg $0xC0  }
0xad: {  	_ =	task [dreg:s9], $0x5FFFF  }
0xae: {  	[dreg:$0x1] =	wrdreg $0xFFFFFFFF  }
0xaf: {  	[dreg:$0x0] =	wrdreg $0x60  }
0xb0: {  	[dreg:$0x2] =	wrdreg s2  }
0xb1: {  	[dreg:$0x3] =	wrdreg s19  }
0xb2: {  	[dreg:$0x4] =	wrdreg s4  }
0xb3: {  	[dreg:$0x5] =	wrdreg $0x9  }
0xb4: {  	_ =	task.clear_ibuf [dreg:s9], $0x6FFFF;
	_ =	strace $0x90000046  }
0xb5: {  	s29 =	simm.s32 $0x9;
	_ =	strace $0x80000048  }
0xb6: {  	_ =	swait.ge [sflag:s29], $0x1  }
0xb7: {  	[sflag:s29] =	ssyncadd.s32 $0xFFFFFFFF  }
0xb8: {  	_ =	strace $0x90000048  }
0xb9: {  	_ =	sfence  }
0xba: {  	s30 =	sld [smem:$0x0];
	_ =	sdelay $0x2  }
0xbb: {  	s31 =	sshll.u32 s1, $0xD;
	s1 =	sshrl.u32 s1, $0x2  }
0xbc: {  	s3 =	sand.u32 $0x4000, s31;
	s1 =	sadd.s32 s1, s30  }
0xbd: {  	s0 =	sor.u32 s3, s0;
	s1 =	sshll.u32 s1, $0x11  }
0xbe: {  	s0 =	sor.u32 s1, s0  }
0xbf: {  	s0 =	sadd.s32 $0x8F2B, s0  }
0xc0: {  	[sflag:s0] =	ssyncadd.remote.s32 $0x1  }
0xc1: {  	_ =	sfence.sel $0xFFFF  }
0xc2: {  	[dreg:$0x0] =	wrdreg $0xFFFFFFFF;
	(pc) =	sbr.abs _section_cstart, $3  }
0xc3: {  	[dreg:$0x1] =	wrdreg $0xFFFFFFFF  }
0xc4: {  	_ =	task.clear_ibuf [dreg:s9], $0x2FFFF;
	_ =	strace $0x9FFFFFFF  }
0xc5: {  	(tm) =	ssettm $0x7FFFFFFF  }
tec
execute0_lowered:
.L_overlay_start_1:
0x0: {  	(tag) =	ssettag $0x1  }
0x1: {  	s0 =	srdreg.scid;
	s3 =	rddreg [dreg:$0x0]  }
0x2: {  	s1 =	stileid.u32;
	s4 =	rddreg [dreg:$0x1];
	s0 =	sand.u32 $0x1, s0  }
0x3: {  	s6 =	rddreg [dreg:$0x2];
	s1 =	sshll.u32 s1, $0x5;
	s2 =	sshll.u32 s0, $0x4  }
0x4: {  	s29 =	simm.s32 $0x1;
	s30 =	simm.s32 $0x3000;
	s2 =	sor.u32 s2, s1  }
0x5: {  	s0 =	ssub.s32 $0x2, s0;
	s1 =	simm.s32 $0x0;
	s5 =	smul.u32 $0x300, s2  }
0x6: {  	s31 =	simm.s32 $0x6000;
	s7 =	sshrl.u32 s0, $0x1;
	[smem:$0x7FF] =	sst s1  }
0x7: {  	s0 =	ssub.s32 s0, s7;
	s2 =	smul.u32 $0x1800, s2;
	s14 =	sadd.s32 s3, s5  }
0x8: {  	s28 =	smax.u32 s0, $0x1;
	s15 =	sadd.s32 s4, s5;
	[dreg:$0x4] =	wrdreg s14  }
0x9: {  	s16 =	sor.u32 $0x600, s5;
	s8 =	sadd.s32 s6, s5;
	[dreg:$0x5] =	wrdreg s15  }
0xa: {  	s5 =	sor.u32 $0xC00, s5;
	[dreg:$0x6] =	wrdreg s8;
	s17 =	sadd.s32 s3, s16  }
0xb: {  	s2 =	sshrl.u32 s2, $0x3;
	s18 =	sadd.s32 s4, s16;
	[dreg:$0x7] =	wrdreg s17  }
0xc: {  	s7 =	sadd.s32 s6, s16;
	s19 =	sadd.s32 s3, s5;
	[dreg:$0x8] =	wrdreg s18  }
0xd: {  	s20 =	sadd.s32 s4, s5;
	s21 =	sadd.s32 $0x1200, s2;
	[dreg:$0x9] =	wrdreg s7  }
0xe: {  	s5 =	sadd.s32 s6, s5;
	s23 =	sadd.s32 $0x1800, s2;
	[dreg:$0xa] =	wrdreg s19  }
0xf: {  	s25 =	sadd.s32 $0x1E00, s2;
	s26 =	sadd.s32 $0x2400, s2;
	[dreg:$0xb] =	wrdreg s20  }
0x10: {  	s2 =	sadd.s32 $0x2A00, s2;
	[dreg:$0xc] =	wrdreg s5;
	s22 =	sadd.s32 s3, s21  }
0x11: {  	s24 =	sadd.s32 s4, s21;
	s13 =	sadd.s32 s6, s21;
	s14 =	sadd.s32 s3, s23  }
0x12: {  	s15 =	sadd.s32 s4, s23;
	s16 =	sadd.s32 s6, s23;
	s17 =	sadd.s32 s3, s25  }
0x13: {  	s18 =	sadd.s32 s4, s25;
	s19 =	sadd.s32 s6, s25;
	s21 =	sadd.s32 s3, s26  }
0x14: {  	s23 =	sadd.s32 s6, s26;
	s25 =	sadd.s32 s4, s2;
	[dreg:$0xd] =	wrdreg s22  }
0x15: {  	s20 =	simm.s32 $0x0;
	[dreg:$0xe] =	wrdreg s24;
	s22 =	sadd.s32 s4, s26  }
0x16: {  	s24 =	sadd.s32 s3, s2;
	s26 =	sadd.s32 s6, s2;
	_ =	strace $0x80000047  }
.LBB2_1:
0x17: {  	s0 =	rddreg [dreg:$0x4]  }
0x18: {  	[tilespmem:s1], [sflag:$0x1] =	stream.linear.gather [hbm4b:s0+s1], $0x3000, $0x38;
	[tilespmem:$0x9000] =	vst v63  }
0x19: {  	_ =	swait.ge [sflag:s29], $0x3000  }
0x1a: {  	[sflag:s29] =	ssyncset.done $0x0  }
0x1b: {  	s12 =	rddreg [dreg:$0x5];
	[sflag:s29] =	ssyncadd.s32 $0xFFFFD000  }
0x1c: {  	[tilespmem:s30], [sflag:$0x1] =	stream.linear.gather [hbm4b:s12+s1], $0x3000, $0x38;
	[tilespmem:$0x9000] =	vst v63  }
0x1d: {  	_ =	swait.ge [sflag:s29], $0x3000  }
0x1e: {  	[sflag:s29] =	ssyncset.done $0x0  }
0x1f: {  	s0 =	simm.s32 $0x0;
	[sflag:s29] =	ssyncadd.s32 $0xFFFFD000  }
.LBB2_2:
0x20: {  	s2 =	sshrl.u32 s0, $0x3  }
0x21: {  	s11 =	sshll.u32 s0, $0x7;
	s3 =	smul.u32 $0x1800, s2  }
0x22: {  	s4 =	sand.u32 $0x380, s11  }
0x23: {  	s5 =	simm.s32 $0x0;
	s2 =	sor.u32 s4, s3  }
0x24: {  	s12 =	sand.u32 $0xC00, s5;
	s6 =	sadd.s32 $0xC00, s2  }
0x25: {  	s7 =	sand.u32 $0x70, s5;
	s8 =	sadd.s32 s6, s12  }
0x26: {  	s9 =	sadd.s32 s3, s12;
	s2 =	sor.u32 s7, s8  }
0x27: {  	s8 =	sor.u32 s7, s9;
	s7 =	simm.s32 $0x10;
	v0 =	vld [tilespmem:s2+$0x0]  }
.LBB2_3:
0x28: {  	p0 =	sne.s32 s7, $0x170;
	s8 =	sor.u32 s4, s8;
	v1 =	vld [tilespmem:s2+$0x3000]  }
0x29: {  	v2 =	vld [tilespmem:s8+$0x0]  }
0x2a: {  	v3 =	vld [tilespmem:s8+$0x3000];
	_ =	sdelay $0x4  }
0x2b: {  	v0 =	vsub.f32 v2, v0;
	v1 =	vsub.f32 v3, v1;
	_ =	sdelay $0x1  }
0x2c: {  	v0 =	vadd.f32 v1, v0;
	_ =	sdelay $0x1  }
0x2d: {  	v0 =	vmul.f32 $2.500000040e-02, v0;
	_ =	sdelay $0x1  }
.Ltmp0:
0x2e: {  	s5 =	sadd.s32 $0x80, s5;
	v1 =	vadd.f32 $2.000000000e+00, v0;
	(pc) =	sbr.rel @p0 .LBB2_3-.Ltmp0, $4  }
0x2f: {  	s9 =	sand.u32 $0xC00, s5;
	v0 =	vsub.f32 $2.000000000e+00, v0  }
0x30: {  	s10 =	sand.u32 $0x70, s7;
	s11 =	sadd.s32 s6, s9;
	v1 =	vmin.f32 v1, $2.000000000e+00  }
0x31: {  	s9 =	sadd.s32 s3, s9;
	s11 =	sor.u32 s10, s11;
	[tilespmem:s8+$0x6000] =	vst v1;
	v1 =	vmin.f32 v0, $2.000000000e+00  }
0x32: {  	s7 =	sadd.s32 $0x10, s7;
	s8 =	sor.u32 s10, s9;
	v0 =	vld [tilespmem:s11+$0x0];
	[tilespmem:s2+$0x6000] =	vst v1;
	s2 =	smov.u32 s11  }
0x33: {  	s3 =	sor.u32 s4, s8;
	v1 =	vld [tilespmem:s2+$0x3000]  }
0x34: {  	v2 =	vld [tilespmem:s3+$0x0]  }
0x35: {  	v3 =	vld [tilespmem:s3+$0x3000];
	_ =	sdelay $0x4  }
0x36: {  	v0 =	vsub.f32 v2, v0;
	v1 =	vsub.f32 v3, v1;
	_ =	sdelay $0x1  }
0x37: {  	v0 =	vadd.f32 v1, v0;
	_ =	sdelay $0x1  }
0x38: {  	s0 =	sadd.s32 $0x1, s0;
	v0 =	vmul.f32 $2.500000040e-02, v0  }
0x39: {  	p0 =	sne.s32 s0, $0x10  }
.Ltmp1:
0x3a: {  	v63 =	vadd.f32 $2.000000000e+00, v0;
	(pc) =	sbr.rel @p0 .LBB2_2-.Ltmp1, $4  }
0x3b: {  	v0 =	vsub.f32 $2.000000000e+00, v0  }
0x3c: {  	v1 =	vmin.f32 v63, $2.000000000e+00  }
0x3d: {  	v0 =	vmin.f32 v0, $2.000000000e+00;
	[tilespmem:s3+$0x6000] =	vst v1  }
0x3e: {  	[tilespmem:s2+$0x6000] =	vst v0  }
0x3f: {  	s0 =	simm.s32 $0x0;
	s2 =	rddreg [dreg:$0x6]  }
0x40: {  	[hbm4b:s2+s0] =	stream.linear.scatter [tilespmem:s31], [sflag:$0x1], $0x3000, $0x38;
	[tilespmem:$0x9000] =	vst v63  }
0x41: {  	_ =	swait.ge [sflag:s29], $0x3000  }
0x42: {  	[sflag:s29] =	ssyncset.done $0x0  }
0x43: {  	s11 =	rddreg [dreg:$0x7];
	[sflag:s29] =	ssyncadd.s32 $0xFFFFD000  }
0x44: {  	[tilespmem:s0], [sflag:$0x1] =	stream.linear.gather [hbm4b:s11+s0], $0x3000, $0x38;
	[tilespmem:$0x9000] =	vst v63  }
0x45: {  	_ =	swait.ge [sflag:s29], $0x3000  }
0x46: {  	[sflag:s29] =	ssyncset.done $0x0  }
0x47: {  	s12 =	rddreg [dreg:$0x8];
	[sflag:s29] =	ssyncadd.s32 $0xFFFFD000  }
0x48: {  	[tilespmem:s30], [sflag:$0x1] =	stream.linear.gather [hbm4b:s12+s0], $0x3000, $0x38;
	[tilespmem:$0x9000] =	vst v63  }
0x49: {  	_ =	swait.ge [sflag:s29], $0x3000  }
0x4a: {  	[sflag:s29] =	ssyncset.done $0x0  }
0x4b: {  	s2 =	simm.s32 $0x0;
	[sflag:s29] =	ssyncadd.s32 $0xFFFFD000  }
.LBB2_6:
0x4c: {  	s3 =	sshrl.u32 s2, $0x3  }
0x4d: {  	s11 =	sshll.u32 s2, $0x7;
	s4 =	smul.u32 $0x1800, s3  }
0x4e: {  	s5 =	sand.u32 $0x380, s11  }
0x4f: {  	s3 =	sor.u32 s5, s4  }
0x50: {  	s12 =	sand.u32 $0xC00, s0;
	s6 =	sadd.s32 $0xC00, s3  }
0x51: {  	s7 =	sand.u32 $0x70, s0;
	s8 =	sadd.s32 s6, s12  }
0x52: {  	s9 =	sadd.s32 s4, s12;
	s3 =	sor.u32 s7, s8  }
0x53: {  	s9 =	sor.u32 s7, s9;
	s7 =	simm.s32 $0x10;
	s8 =	simm.s32 $0x0;
	v0 =	vld [tilespmem:s3+$0x0]  }
.LBB2_7:
0x54: {  	p0 =	sne.s32 s7, $0x170;
	s9 =	sor.u32 s5, s9;
	v1 =	vld [tilespmem:s3+$0x3000]  }
0x55: {  	v2 =	vld [tilespmem:s9+$0x0]  }
0x56: {  	v3 =	vld [tilespmem:s9+$0x3000];
	_ =	sdelay $0x4  }
0x57: {  	v0 =	vsub.f32 v2, v0;
	v1 =	vsub.f32 v3, v1;
	_ =	sdelay $0x1  }
0x58: {  	v0 =	vadd.f32 v1, v0;
	_ =	sdelay $0x1  }
0x59: {  	v0 =	vmul.f32 $2.500000040e-02, v0;
	_ =	sdelay $0x1  }
.Ltmp2:
0x5a: {  	s8 =	sadd.s32 $0x80, s8;
	v1 =	vadd.f32 $2.000000000e+00, v0;
	(pc) =	sbr.rel @p0 .LBB2_7-.Ltmp2, $4  }
0x5b: {  	s10 =	sand.u32 $0xC00, s8;
	v0 =	vsub.f32 $2.000000000e+00, v0  }
0x5c: {  	s11 =	sand.u32 $0x70, s7;
	s12 =	sadd.s32 s6, s10;
	v1 =	vmin.f32 v1, $2.000000000e+00  }
0x5d: {  	s10 =	sadd.s32 s4, s10;
	s12 =	sor.u32 s11, s12;
	[tilespmem:s9+$0x6000] =	vst v1;
	v1 =	vmin.f32 v0, $2.000000000e+00  }
0x5e: {  	s7 =	sadd.s32 $0x10, s7;
	s9 =	sor.u32 s11, s10;
	v0 =	vld [tilespmem:s12+$0x0];
	[tilespmem:s3+$0x6000] =	vst v1;
	s3 =	smov.u32 s12  }
0x5f: {  	s4 =	sor.u32 s5, s9;
	v1 =	vld [tilespmem:s3+$0x3000]  }
0x60: {  	v2 =	vld [tilespmem:s4+$0x0]  }
0x61: {  	v3 =	vld [tilespmem:s4+$0x3000];
	_ =	sdelay $0x4  }
0x62: {  	v0 =	vsub.f32 v2, v0;
	v1 =	vsub.f32 v3, v1;
	_ =	sdelay $0x1  }
0x63: {  	v0 =	vadd.f32 v1, v0;
	_ =	sdelay $0x1  }
0x64: {  	s2 =	sadd.s32 $0x1, s2;
	v0 =	vmul.f32 $2.500000040e-02, v0  }
0x65: {  	p0 =	sne.s32 s2, $0x10  }
.Ltmp3:
0x66: {  	v63 =	vadd.f32 $2.000000000e+00, v0;
	(pc) =	sbr.rel @p0 .LBB2_6-.Ltmp3, $4  }
0x67: {  	v0 =	vsub.f32 $2.000000000e+00, v0  }
0x68: {  	v1 =	vmin.f32 v63, $2.000000000e+00  }
0x69: {  	v0 =	vmin.f32 v0, $2.000000000e+00;
	[tilespmem:s4+$0x6000] =	vst v1  }
0x6a: {  	[tilespmem:s3+$0x6000] =	vst v0  }
0x6b: {  	s0 =	simm.s32 $0x0;
	s2 =	rddreg [dreg:$0x9]  }
0x6c: {  	[hbm4b:s2+s0] =	stream.linear.scatter [tilespmem:s31], [sflag:$0x1], $0x3000, $0x38;
	[tilespmem:$0x9000] =	vst v63  }
0x6d: {  	_ =	swait.ge [sflag:s29], $0x3000  }
0x6e: {  	[sflag:s29] =	ssyncset.done $0x0  }
0x6f: {  	s11 =	rddreg [dreg:$0xa];
	[sflag:s29] =	ssyncadd.s32 $0xFFFFD000  }
0x70: {  	[tilespmem:s0], [sflag:$0x1] =	stream.linear.gather [hbm4b:s11+s0], $0x3000, $0x38;
	[tilespmem:$0x9000] =	vst v63  }
0x71: {  	_ =	swait.ge [sflag:s29], $0x3000  }
0x72: {  	[sflag:s29] =	ssyncset.done $0x0  }
0x73: {  	s12 =	rddreg [dreg:$0xb];
	[sflag:s29] =	ssyncadd.s32 $0xFFFFD000  }
0x74: {  	[tilespmem:s30], [sflag:$0x1] =	stream.linear.gather [hbm4b:s12+s0], $0x3000, $0x38;
	[tilespmem:$0x9000] =	vst v63  }
0x75: {  	_ =	swait.ge [sflag:s29], $0x3000  }
0x76: {  	[sflag:s29] =	ssyncset.done $0x0  }
0x77: {  	s2 =	simm.s32 $0x0;
	[sflag:s29] =	ssyncadd.s32 $0xFFFFD000  }
.LBB2_10:
0x78: {  	s3 =	sshrl.u32 s2, $0x3  }
0x79: {  	s11 =	sshll.u32 s2, $0x7;
	s4 =	smul.u32 $0x1800, s3  }
0x7a: {  	s5 =	sand.u32 $0x380, s11  }
0x7b: {  	s3 =	sor.u32 s5, s4  }
0x7c: {  	s12 =	sand.u32 $0xC00, s0;
	s6 =	sadd.s32 $0xC00, s3  }
0x7d: {  	s7 =	sand.u32 $0x70, s0;
	s8 =	sadd.s32 s6, s12  }
0x7e: {  	s9 =	sadd.s32 s4, s12;
	s3 =	sor.u32 s7, s8  }
0x7f: {  	s9 =	sor.u32 s7, s9;
	s7 =	simm.s32 $0x10;
	s8 =	simm.s32 $0x0;
	v0 =	vld [tilespmem:s3+$0x0]  }
.LBB2_11:
0x80: {  	p0 =	sne.s32 s7, $0x170;
	s9 =	sor.u32 s5, s9;
	v1 =	vld [tilespmem:s3+$0x3000]  }
0x81: {  	v2 =	vld [tilespmem:s9+$0x0]  }
0x82: {  	v3 =	vld [tilespmem:s9+$0x3000];
	_ =	sdelay $0x4  }
0x83: {  	v0 =	vsub.f32 v2, v0;
	v1 =	vsub.f32 v3, v1;
	_ =	sdelay $0x1  }
0x84: {  	v0 =	vadd.f32 v1, v0;
	_ =	sdelay $0x1  }
0x85: {  	v0 =	vmul.f32 $2.500000040e-02, v0;
	_ =	sdelay $0x1  }
.Ltmp4:
0x86: {  	s8 =	sadd.s32 $0x80, s8;
	v1 =	vadd.f32 $2.000000000e+00, v0;
	(pc) =	sbr.rel @p0 .LBB2_11-.Ltmp4, $4  }
0x87: {  	s10 =	sand.u32 $0xC00, s8;
	v0 =	vsub.f32 $2.000000000e+00, v0  }
0x88: {  	s11 =	sand.u32 $0x70, s7;
	s12 =	sadd.s32 s6, s10;
	v1 =	vmin.f32 v1, $2.000000000e+00  }
0x89: {  	s10 =	sadd.s32 s4, s10;
	s12 =	sor.u32 s11, s12;
	[tilespmem:s9+$0x6000] =	vst v1;
	v1 =	vmin.f32 v0, $2.000000000e+00  }
0x8a: {  	s7 =	sadd.s32 $0x10, s7;
	s9 =	sor.u32 s11, s10;
	v0 =	vld [tilespmem:s12+$0x0];
	[tilespmem:s3+$0x6000] =	vst v1;
	s3 =	smov.u32 s12  }
0x8b: {  	s4 =	sor.u32 s5, s9;
	v1 =	vld [tilespmem:s3+$0x3000]  }
0x8c: {  	v2 =	vld [tilespmem:s4+$0x0]  }
0x8d: {  	v3 =	vld [tilespmem:s4+$0x3000];
	_ =	sdelay $0x4  }
0x8e: {  	v0 =	vsub.f32 v2, v0;
	v1 =	vsub.f32 v3, v1;
	_ =	sdelay $0x1  }
0x8f: {  	v0 =	vadd.f32 v1, v0;
	_ =	sdelay $0x1  }
0x90: {  	s2 =	sadd.s32 $0x1, s2;
	v0 =	vmul.f32 $2.500000040e-02, v0  }
0x91: {  	p0 =	sne.s32 s2, $0x10  }
.Ltmp5:
0x92: {  	v63 =	vadd.f32 $2.000000000e+00, v0;
	(pc) =	sbr.rel @p0 .LBB2_10-.Ltmp5, $4  }
0x93: {  	v0 =	vsub.f32 $2.000000000e+00, v0  }
0x94: {  	v1 =	vmin.f32 v63, $2.000000000e+00  }
0x95: {  	v0 =	vmin.f32 v0, $2.000000000e+00;
	[tilespmem:s4+$0x6000] =	vst v1  }
0x96: {  	[tilespmem:s3+$0x6000] =	vst v0  }
0x97: {  	s0 =	simm.s32 $0x0;
	s2 =	rddreg [dreg:$0xc]  }
0x98: {  	[hbm4b:s2+s0] =	stream.linear.scatter [tilespmem:s31], [sflag:$0x1], $0x3000, $0x38;
	[tilespmem:$0x9000] =	vst v63  }
0x99: {  	_ =	swait.ge [sflag:s29], $0x3000  }
0x9a: {  	[sflag:s29] =	ssyncset.done $0x0  }
0x9b: {  	s11 =	rddreg [dreg:$0xd];
	[sflag:s29] =	ssyncadd.s32 $0xFFFFD000  }
0x9c: {  	[tilespmem:s0], [sflag:$0x1] =	stream.linear.gather [hbm4b:s11+s0], $0x3000, $0x38;
	[tilespmem:$0x9000] =	vst v63  }
0x9d: {  	_ =	swait.ge [sflag:s29], $0x3000  }
0x9e: {  	[sflag:s29] =	ssyncset.done $0x0  }
0x9f: {  	s12 =	rddreg [dreg:$0xe];
	[sflag:s29] =	ssyncadd.s32 $0xFFFFD000  }
0xa0: {  	[tilespmem:s30], [sflag:$0x1] =	stream.linear.gather [hbm4b:s12+s0], $0x3000, $0x38;
	[tilespmem:$0x9000] =	vst v63  }
0xa1: {  	_ =	swait.ge [sflag:s29], $0x3000  }
0xa2: {  	[sflag:s29] =	ssyncset.done $0x0  }
0xa3: {  	s2 =	simm.s32 $0x0;
	[sflag:s29] =	ssyncadd.s32 $0xFFFFD000  }
.LBB2_14:
0xa4: {  	s3 =	sshrl.u32 s2, $0x3  }
0xa5: {  	s11 =	sshll.u32 s2, $0x7;
	s4 =	smul.u32 $0x1800, s3  }
0xa6: {  	s5 =	sand.u32 $0x380, s11  }
0xa7: {  	s3 =	sor.u32 s5, s4  }
0xa8: {  	s12 =	sand.u32 $0xC00, s0;
	s6 =	sadd.s32 $0xC00, s3  }
0xa9: {  	s7 =	sand.u32 $0x70, s0;
	s8 =	sadd.s32 s6, s12  }
0xaa: {  	s9 =	sadd.s32 s4, s12;
	s3 =	sor.u32 s7, s8  }
0xab: {  	s9 =	sor.u32 s7, s9;
	s7 =	simm.s32 $0x10;
	s8 =	simm.s32 $0x0;
	v0 =	vld [tilespmem:s3+$0x0]  }
.LBB2_15:
0xac: {  	p0 =	sne.s32 s7, $0x170;
	s9 =	sor.u32 s5, s9;
	v1 =	vld [tilespmem:s3+$0x3000]  }
0xad: {  	v2 =	vld [tilespmem:s9+$0x0]  }
0xae: {  	v3 =	vld [tilespmem:s9+$0x3000];
	_ =	sdelay $0x4  }
0xaf: {  	v0 =	vsub.f32 v2, v0;
	v1 =	vsub.f32 v3, v1;
	_ =	sdelay $0x1  }
0xb0: {  	v0 =	vadd.f32 v1, v0;
	_ =	sdelay $0x1  }
0xb1: {  	v0 =	vmul.f32 $2.500000040e-02, v0;
	_ =	sdelay $0x1  }
.Ltmp6:
0xb2: {  	s8 =	sadd.s32 $0x80, s8;
	v1 =	vadd.f32 $2.000000000e+00, v0;
	(pc) =	sbr.rel @p0 .LBB2_15-.Ltmp6, $4  }
0xb3: {  	s10 =	sand.u32 $0xC00, s8;
	v0 =	vsub.f32 $2.000000000e+00, v0  }
0xb4: {  	s11 =	sand.u32 $0x70, s7;
	s12 =	sadd.s32 s6, s10;
	v1 =	vmin.f32 v1, $2.000000000e+00  }
0xb5: {  	s10 =	sadd.s32 s4, s10;
	s12 =	sor.u32 s11, s12;
	[tilespmem:s9+$0x6000] =	vst v1;
	v1 =	vmin.f32 v0, $2.000000000e+00  }
0xb6: {  	s7 =	sadd.s32 $0x10, s7;
	s9 =	sor.u32 s11, s10;
	v0 =	vld [tilespmem:s12+$0x0];
	[tilespmem:s3+$0x6000] =	vst v1;
	s3 =	smov.u32 s12  }
0xb7: {  	s4 =	sor.u32 s5, s9;
	v1 =	vld [tilespmem:s3+$0x3000]  }
0xb8: {  	v2 =	vld [tilespmem:s4+$0x0]  }
0xb9: {  	v3 =	vld [tilespmem:s4+$0x3000];
	_ =	sdelay $0x4  }
0xba: {  	v0 =	vsub.f32 v2, v0;
	v1 =	vsub.f32 v3, v1;
	_ =	sdelay $0x1  }
0xbb: {  	v0 =	vadd.f32 v1, v0;
	_ =	sdelay $0x1  }
0xbc: {  	s2 =	sadd.s32 $0x1, s2;
	v0 =	vmul.f32 $2.500000040e-02, v0  }
0xbd: {  	p0 =	sne.s32 s2, $0x10  }
.Ltmp7:
0xbe: {  	v63 =	vadd.f32 $2.000000000e+00, v0;
	(pc) =	sbr.rel @p0 .LBB2_14-.Ltmp7, $4  }
0xbf: {  	v0 =	vsub.f32 $2.000000000e+00, v0  }
0xc0: {  	v1 =	vmin.f32 v63, $2.000000000e+00  }
0xc1: {  	v0 =	vmin.f32 v0, $2.000000000e+00;
	[tilespmem:s4+$0x6000] =	vst v1  }
0xc2: {  	[tilespmem:s3+$0x6000] =	vst v0  }
0xc3: {  	s0 =	simm.s32 $0x0  }
0xc4: {  	[hbm4b:s13+s0] =	stream.linear.scatter [tilespmem:s31], [sflag:$0x1], $0x3000, $0x38;
	[tilespmem:$0x9000] =	vst v63  }
0xc5: {  	_ =	swait.ge [sflag:s29], $0x3000  }
0xc6: {  	[sflag:s29] =	ssyncset.done $0x0  }
0xc7: {  	[sflag:s29] =	ssyncadd.s32 $0xFFFFD000  }
0xc8: {  	[tilespmem:s0], [sflag:$0x1] =	stream.linear.gather [hbm4b:s14+s0], $0x3000, $0x38;
	[tilespmem:$0x9000] =	vst v63  }
0xc9: {  	_ =	swait.ge [sflag:s29], $0x3000  }
0xca: {  	[sflag:s29] =	ssyncset.done $0x0  }
0xcb: {  	[sflag:s29] =	ssyncadd.s32 $0xFFFFD000  }
0xcc: {  	[tilespmem:s30], [sflag:$0x1] =	stream.linear.gather [hbm4b:s15+s0], $0x3000, $0x38;
	[tilespmem:$0x9000] =	vst v63  }
0xcd: {  	_ =	swait.ge [sflag:s29], $0x3000  }
0xce: {  	[sflag:s29] =	ssyncset.done $0x0  }
0xcf: {  	s2 =	simm.s32 $0x0;
	[sflag:s29] =	ssyncadd.s32 $0xFFFFD000  }
.LBB2_18:
0xd0: {  	s3 =	sshrl.u32 s2, $0x3  }
0xd1: {  	s11 =	sshll.u32 s2, $0x7;
	s4 =	smul.u32 $0x1800, s3  }
0xd2: {  	s5 =	sand.u32 $0x380, s11  }
0xd3: {  	s3 =	sor.u32 s5, s4  }
0xd4: {  	s12 =	sand.u32 $0xC00, s0;
	s6 =	sadd.s32 $0xC00, s3  }
0xd5: {  	s7 =	sand.u32 $0x70, s0;
	s8 =	sadd.s32 s6, s12  }
0xd6: {  	s9 =	sadd.s32 s4, s12;
	s3 =	sor.u32 s7, s8  }
0xd7: {  	s9 =	sor.u32 s7, s9;
	s7 =	simm.s32 $0x10;
	s8 =	simm.s32 $0x0;
	v0 =	vld [tilespmem:s3+$0x0]  }
.LBB2_19:
0xd8: {  	p0 =	sne.s32 s7, $0x170;
	s9 =	sor.u32 s5, s9;
	v1 =	vld [tilespmem:s3+$0x3000]  }
0xd9: {  	v2 =	vld [tilespmem:s9+$0x0]  }
0xda: {  	v3 =	vld [tilespmem:s9+$0x3000];
	_ =	sdelay $0x4  }
0xdb: {  	v0 =	vsub.f32 v2, v0;
	v1 =	vsub.f32 v3, v1;
	_ =	sdelay $0x1  }
0xdc: {  	v0 =	vadd.f32 v1, v0;
	_ =	sdelay $0x1  }
0xdd: {  	v0 =	vmul.f32 $2.500000040e-02, v0;
	_ =	sdelay $0x1  }
.Ltmp8:
0xde: {  	s8 =	sadd.s32 $0x80, s8;
	v1 =	vadd.f32 $2.000000000e+00, v0;
	(pc) =	sbr.rel @p0 .LBB2_19-.Ltmp8, $4  }
0xdf: {  	s10 =	sand.u32 $0xC00, s8;
	v0 =	vsub.f32 $2.000000000e+00, v0  }
0xe0: {  	s11 =	sand.u32 $0x70, s7;
	s12 =	sadd.s32 s6, s10;
	v1 =	vmin.f32 v1, $2.000000000e+00  }
0xe1: {  	s10 =	sadd.s32 s4, s10;
	s12 =	sor.u32 s11, s12;
	[tilespmem:s9+$0x6000] =	vst v1;
	v1 =	vmin.f32 v0, $2.000000000e+00  }
0xe2: {  	s7 =	sadd.s32 $0x10, s7;
	s9 =	sor.u32 s11, s10;
	v0 =	vld [tilespmem:s12+$0x0];
	[tilespmem:s3+$0x6000] =	vst v1;
	s3 =	smov.u32 s12  }
0xe3: {  	s4 =	sor.u32 s5, s9;
	v1 =	vld [tilespmem:s3+$0x3000]  }
0xe4: {  	v2 =	vld [tilespmem:s4+$0x0]  }
0xe5: {  	v3 =	vld [tilespmem:s4+$0x3000];
	_ =	sdelay $0x4  }
0xe6: {  	v0 =	vsub.f32 v2, v0;
	v1 =	vsub.f32 v3, v1;
	_ =	sdelay $0x1  }
0xe7: {  	v0 =	vadd.f32 v1, v0;
	_ =	sdelay $0x1  }
0xe8: {  	s2 =	sadd.s32 $0x1, s2;
	v0 =	vmul.f32 $2.500000040e-02, v0  }
0xe9: {  	p0 =	sne.s32 s2, $0x10  }
.Ltmp9:
0xea: {  	v63 =	vadd.f32 $2.000000000e+00, v0;
	(pc) =	sbr.rel @p0 .LBB2_18-.Ltmp9, $4  }
0xeb: {  	v0 =	vsub.f32 $2.000000000e+00, v0  }
0xec: {  	v1 =	vmin.f32 v63, $2.000000000e+00  }
0xed: {  	v0 =	vmin.f32 v0, $2.000000000e+00;
	[tilespmem:s4+$0x6000] =	vst v1  }
0xee: {  	[tilespmem:s3+$0x6000] =	vst v0  }
0xef: {  	s0 =	simm.s32 $0x0  }
0xf0: {  	[hbm4b:s16+s0] =	stream.linear.scatter [tilespmem:s31], [sflag:$0x1], $0x3000, $0x38;
	[tilespmem:$0x9000] =	vst v63  }
0xf1: {  	_ =	swait.ge [sflag:s29], $0x3000  }
0xf2: {  	[sflag:s29] =	ssyncset.done $0x0  }
0xf3: {  	[sflag:s29] =	ssyncadd.s32 $0xFFFFD000  }
0xf4: {  	[tilespmem:s0], [sflag:$0x1] =	stream.linear.gather [hbm4b:s17+s0], $0x3000, $0x38;
	[tilespmem:$0x9000] =	vst v63  }
0xf5: {  	_ =	swait.ge [sflag:s29], $0x3000  }
0xf6: {  	[sflag:s29] =	ssyncset.done $0x0  }
0xf7: {  	[sflag:s29] =	ssyncadd.s32 $0xFFFFD000  }
0xf8: {  	[tilespmem:s30], [sflag:$0x1] =	stream.linear.gather [hbm4b:s18+s0], $0x3000, $0x38;
	[tilespmem:$0x9000] =	vst v63  }
0xf9: {  	_ =	swait.ge [sflag:s29], $0x3000  }
0xfa: {  	[sflag:s29] =	ssyncset.done $0x0  }
0xfb: {  	s2 =	simm.s32 $0x0;
	[sflag:s29] =	ssyncadd.s32 $0xFFFFD000  }
.LBB2_22:
0xfc: {  	s3 =	sshrl.u32 s2, $0x3  }
0xfd: {  	s11 =	sshll.u32 s2, $0x7;
	s4 =	smul.u32 $0x1800, s3  }
0xfe: {  	s5 =	sand.u32 $0x380, s11  }
0xff: {  	s3 =	sor.u32 s5, s4  }
0x100: {  	s12 =	sand.u32 $0xC00, s0;
	s6 =	sadd.s32 $0xC00, s3  }
0x101: {  	s7 =	sand.u32 $0x70, s0;
	s8 =	sadd.s32 s6, s12  }
0x102: {  	s9 =	sadd.s32 s4, s12;
	s3 =	sor.u32 s7, s8  }
0x103: {  	s9 =	sor.u32 s7, s9;
	s7 =	simm.s32 $0x10;
	s8 =	simm.s32 $0x0;
	v0 =	vld [tilespmem:s3+$0x0]  }
.LBB2_23:
0x104: {  	p0 =	sne.s32 s7, $0x170;
	s9 =	sor.u32 s5, s9;
	v1 =	vld [tilespmem:s3+$0x3000]  }
0x105: {  	v2 =	vld [tilespmem:s9+$0x0]  }
0x106: {  	v3 =	vld [tilespmem:s9+$0x3000];
	_ =	sdelay $0x4  }
0x107: {  	v0 =	vsub.f32 v2, v0;
	v1 =	vsub.f32 v3, v1;
	_ =	sdelay $0x1  }
0x108: {  	v0 =	vadd.f32 v1, v0;
	_ =	sdelay $0x1  }
0x109: {  	v0 =	vmul.f32 $2.500000040e-02, v0;
	_ =	sdelay $0x1  }
.Ltmp10:
0x10a: {  	s8 =	sadd.s32 $0x80, s8;
	v1 =	vadd.f32 $2.000000000e+00, v0;
	(pc) =	sbr.rel @p0 .LBB2_23-.Ltmp10, $4  }
0x10b: {  	s10 =	sand.u32 $0xC00, s8;
	v0 =	vsub.f32 $2.000000000e+00, v0  }
0x10c: {  	s11 =	sand.u32 $0x70, s7;
	s12 =	sadd.s32 s6, s10;
	v1 =	vmin.f32 v1, $2.000000000e+00  }
0x10d: {  	s10 =	sadd.s32 s4, s10;
	s12 =	sor.u32 s11, s12;
	[tilespmem:s9+$0x6000] =	vst v1;
	v1 =	vmin.f32 v0, $2.000000000e+00  }
0x10e: {  	s7 =	sadd.s32 $0x10, s7;
	s9 =	sor.u32 s11, s10;
	v0 =	vld [tilespmem:s12+$0x0];
	[tilespmem:s3+$0x6000] =	vst v1;
	s3 =	smov.u32 s12  }
0x10f: {  	s4 =	sor.u32 s5, s9;
	v1 =	vld [tilespmem:s3+$0x3000]  }
0x110: {  	v2 =	vld [tilespmem:s4+$0x0]  }
0x111: {  	v3 =	vld [tilespmem:s4+$0x3000];
	_ =	sdelay $0x4  }
0x112: {  	v0 =	vsub.f32 v2, v0;
	v1 =	vsub.f32 v3, v1;
	_ =	sdelay $0x1  }
0x113: {  	v0 =	vadd.f32 v1, v0;
	_ =	sdelay $0x1  }
0x114: {  	s2 =	sadd.s32 $0x1, s2;
	v0 =	vmul.f32 $2.500000040e-02, v0  }
0x115: {  	p0 =	sne.s32 s2, $0x10  }
.Ltmp11:
0x116: {  	v63 =	vadd.f32 $2.000000000e+00, v0;
	(pc) =	sbr.rel @p0 .LBB2_22-.Ltmp11, $4  }
0x117: {  	v0 =	vsub.f32 $2.000000000e+00, v0  }
0x118: {  	v1 =	vmin.f32 v63, $2.000000000e+00  }
0x119: {  	v0 =	vmin.f32 v0, $2.000000000e+00;
	[tilespmem:s4+$0x6000] =	vst v1  }
0x11a: {  	[tilespmem:s3+$0x6000] =	vst v0  }
0x11b: {  	s0 =	simm.s32 $0x0  }
0x11c: {  	[hbm4b:s19+s0] =	stream.linear.scatter [tilespmem:s31], [sflag:$0x1], $0x3000, $0x38;
	[tilespmem:$0x9000] =	vst v63  }
0x11d: {  	_ =	swait.ge [sflag:s29], $0x3000  }
0x11e: {  	[sflag:s29] =	ssyncset.done $0x0  }
0x11f: {  	[sflag:s29] =	ssyncadd.s32 $0xFFFFD000  }
0x120: {  	[tilespmem:s0], [sflag:$0x1] =	stream.linear.gather [hbm4b:s21+s0], $0x3000, $0x38;
	[tilespmem:$0x9000] =	vst v63  }
0x121: {  	_ =	swait.ge [sflag:s29], $0x3000  }
0x122: {  	[sflag:s29] =	ssyncset.done $0x0  }
0x123: {  	[sflag:s29] =	ssyncadd.s32 $0xFFFFD000  }
0x124: {  	[tilespmem:s30], [sflag:$0x1] =	stream.linear.gather [hbm4b:s22+s0], $0x3000, $0x38;
	[tilespmem:$0x9000] =	vst v63  }
0x125: {  	_ =	swait.ge [sflag:s29], $0x3000  }
0x126: {  	[sflag:s29] =	ssyncset.done $0x0  }
0x127: {  	s2 =	simm.s32 $0x0;
	[sflag:s29] =	ssyncadd.s32 $0xFFFFD000  }
.LBB2_26:
0x128: {  	s3 =	sshrl.u32 s2, $0x3  }
0x129: {  	s11 =	sshll.u32 s2, $0x7;
	s4 =	smul.u32 $0x1800, s3  }
0x12a: {  	s5 =	sand.u32 $0x380, s11  }
0x12b: {  	s3 =	sor.u32 s5, s4  }
0x12c: {  	s12 =	sand.u32 $0xC00, s0;
	s6 =	sadd.s32 $0xC00, s3  }
0x12d: {  	s7 =	sand.u32 $0x70, s0;
	s8 =	sadd.s32 s6, s12  }
0x12e: {  	s9 =	sadd.s32 s4, s12;
	s3 =	sor.u32 s7, s8  }
0x12f: {  	s9 =	sor.u32 s7, s9;
	s7 =	simm.s32 $0x10;
	s8 =	simm.s32 $0x0;
	v0 =	vld [tilespmem:s3+$0x0]  }
.LBB2_27:
0x130: {  	p0 =	sne.s32 s7, $0x170;
	s9 =	sor.u32 s5, s9;
	v1 =	vld [tilespmem:s3+$0x3000]  }
0x131: {  	v2 =	vld [tilespmem:s9+$0x0]  }
0x132: {  	v3 =	vld [tilespmem:s9+$0x3000];
	_ =	sdelay $0x4  }
0x133: {  	v0 =	vsub.f32 v2, v0;
	v1 =	vsub.f32 v3, v1;
	_ =	sdelay $0x1  }
0x134: {  	v0 =	vadd.f32 v1, v0;
	_ =	sdelay $0x1  }
0x135: {  	v0 =	vmul.f32 $2.500000040e-02, v0;
	_ =	sdelay $0x1  }
.Ltmp12:
0x136: {  	s8 =	sadd.s32 $0x80, s8;
	v1 =	vadd.f32 $2.000000000e+00, v0;
	(pc) =	sbr.rel @p0 .LBB2_27-.Ltmp12, $4  }
0x137: {  	s10 =	sand.u32 $0xC00, s8;
	v0 =	vsub.f32 $2.000000000e+00, v0  }
0x138: {  	s11 =	sand.u32 $0x70, s7;
	s12 =	sadd.s32 s6, s10;
	v1 =	vmin.f32 v1, $2.000000000e+00  }
0x139: {  	s10 =	sadd.s32 s4, s10;
	s12 =	sor.u32 s11, s12;
	[tilespmem:s9+$0x6000] =	vst v1;
	v1 =	vmin.f32 v0, $2.000000000e+00  }
0x13a: {  	s7 =	sadd.s32 $0x10, s7;
	s9 =	sor.u32 s11, s10;
	v0 =	vld [tilespmem:s12+$0x0];
	[tilespmem:s3+$0x6000] =	vst v1;
	s3 =	smov.u32 s12  }
0x13b: {  	s4 =	sor.u32 s5, s9;
	v1 =	vld [tilespmem:s3+$0x3000]  }
0x13c: {  	v2 =	vld [tilespmem:s4+$0x0]  }
0x13d: {  	v3 =	vld [tilespmem:s4+$0x3000];
	_ =	sdelay $0x4  }
0x13e: {  	v0 =	vsub.f32 v2, v0;
	v1 =	vsub.f32 v3, v1;
	_ =	sdelay $0x1  }
0x13f: {  	v0 =	vadd.f32 v1, v0;
	_ =	sdelay $0x1  }
0x140: {  	s2 =	sadd.s32 $0x1, s2;
	v0 =	vmul.f32 $2.500000040e-02, v0  }
0x141: {  	p0 =	sne.s32 s2, $0x10  }
.Ltmp13:
0x142: {  	v63 =	vadd.f32 $2.000000000e+00, v0;
	(pc) =	sbr.rel @p0 .LBB2_26-.Ltmp13, $4  }
0x143: {  	v0 =	vsub.f32 $2.000000000e+00, v0  }
0x144: {  	v1 =	vmin.f32 v63, $2.000000000e+00  }
0x145: {  	v0 =	vmin.f32 v0, $2.000000000e+00;
	[tilespmem:s4+$0x6000] =	vst v1  }
0x146: {  	[tilespmem:s3+$0x6000] =	vst v0  }
0x147: {  	s0 =	simm.s32 $0x0  }
0x148: {  	[hbm4b:s23+s0] =	stream.linear.scatter [tilespmem:s31], [sflag:$0x1], $0x3000, $0x38;
	[tilespmem:$0x9000] =	vst v63  }
0x149: {  	_ =	swait.ge [sflag:s29], $0x3000  }
0x14a: {  	[sflag:s29] =	ssyncset.done $0x0  }
0x14b: {  	[sflag:s29] =	ssyncadd.s32 $0xFFFFD000  }
0x14c: {  	[tilespmem:s0], [sflag:$0x1] =	stream.linear.gather [hbm4b:s24+s0], $0x3000, $0x38;
	[tilespmem:$0x9000] =	vst v63  }
0x14d: {  	_ =	swait.ge [sflag:s29], $0x3000  }
0x14e: {  	[sflag:s29] =	ssyncset.done $0x0  }
0x14f: {  	[sflag:s29] =	ssyncadd.s32 $0xFFFFD000  }
0x150: {  	[tilespmem:s30], [sflag:$0x1] =	stream.linear.gather [hbm4b:s25+s0], $0x3000, $0x38;
	[tilespmem:$0x9000] =	vst v63  }
0x151: {  	_ =	swait.ge [sflag:s29], $0x3000  }
0x152: {  	[sflag:s29] =	ssyncset.done $0x0  }
0x153: {  	s2 =	simm.s32 $0x0;
	[sflag:s29] =	ssyncadd.s32 $0xFFFFD000  }
.LBB2_30:
0x154: {  	s3 =	sshrl.u32 s2, $0x3  }
0x155: {  	s11 =	sshll.u32 s2, $0x7;
	s4 =	smul.u32 $0x1800, s3  }
0x156: {  	s5 =	sand.u32 $0x380, s11  }
0x157: {  	s3 =	sor.u32 s5, s4  }
0x158: {  	s12 =	sand.u32 $0xC00, s0;
	s6 =	sadd.s32 $0xC00, s3  }
0x159: {  	s7 =	sand.u32 $0x70, s0;
	s8 =	sadd.s32 s6, s12  }
0x15a: {  	s9 =	sadd.s32 s4, s12;
	s3 =	sor.u32 s7, s8  }
0x15b: {  	s9 =	sor.u32 s7, s9;
	s7 =	simm.s32 $0x10;
	s8 =	simm.s32 $0x0;
	v0 =	vld [tilespmem:s3+$0x0]  }
.LBB2_31:
0x15c: {  	p0 =	sne.s32 s7, $0x170;
	s9 =	sor.u32 s5, s9;
	v1 =	vld [tilespmem:s3+$0x3000]  }
0x15d: {  	v2 =	vld [tilespmem:s9+$0x0]  }
0x15e: {  	v3 =	vld [tilespmem:s9+$0x3000];
	_ =	sdelay $0x4  }
0x15f: {  	v0 =	vsub.f32 v2, v0;
	v1 =	vsub.f32 v3, v1;
	_ =	sdelay $0x1  }
0x160: {  	v0 =	vadd.f32 v1, v0;
	_ =	sdelay $0x1  }
0x161: {  	v0 =	vmul.f32 $2.500000040e-02, v0;
	_ =	sdelay $0x1  }
.Ltmp14:
0x162: {  	s8 =	sadd.s32 $0x80, s8;
	v1 =	vadd.f32 $2.000000000e+00, v0;
	(pc) =	sbr.rel @p0 .LBB2_31-.Ltmp14, $4  }
0x163: {  	s10 =	sand.u32 $0xC00, s8;
	v0 =	vsub.f32 $2.000000000e+00, v0  }
0x164: {  	s11 =	sand.u32 $0x70, s7;
	s12 =	sadd.s32 s6, s10;
	v1 =	vmin.f32 v1, $2.000000000e+00  }
0x165: {  	s10 =	sadd.s32 s4, s10;
	s12 =	sor.u32 s11, s12;
	[tilespmem:s9+$0x6000] =	vst v1;
	v1 =	vmin.f32 v0, $2.000000000e+00  }
0x166: {  	s7 =	sadd.s32 $0x10, s7;
	s9 =	sor.u32 s11, s10;
	v0 =	vld [tilespmem:s12+$0x0];
	[tilespmem:s3+$0x6000] =	vst v1;
	s3 =	smov.u32 s12  }
0x167: {  	s4 =	sor.u32 s5, s9;
	v1 =	vld [tilespmem:s3+$0x3000]  }
0x168: {  	v2 =	vld [tilespmem:s4+$0x0]  }
0x169: {  	v3 =	vld [tilespmem:s4+$0x3000];
	_ =	sdelay $0x4  }
0x16a: {  	v0 =	vsub.f32 v2, v0;
	v1 =	vsub.f32 v3, v1;
	_ =	sdelay $0x1  }
0x16b: {  	v0 =	vadd.f32 v1, v0;
	_ =	sdelay $0x1  }
0x16c: {  	s2 =	sadd.s32 $0x1, s2;
	v0 =	vmul.f32 $2.500000040e-02, v0  }
0x16d: {  	p0 =	sne.s32 s2, $0x10  }
.Ltmp15:
0x16e: {  	v63 =	vadd.f32 $2.000000000e+00, v0;
	(pc) =	sbr.rel @p0 .LBB2_30-.Ltmp15, $4  }
0x16f: {  	v0 =	vsub.f32 $2.000000000e+00, v0  }
0x170: {  	v1 =	vmin.f32 v63, $2.000000000e+00  }
0x171: {  	v0 =	vmin.f32 v0, $2.000000000e+00;
	[tilespmem:s4+$0x6000] =	vst v1  }
0x172: {  	[tilespmem:s3+$0x6000] =	vst v0  }
0x173: {  	s20 =	sadd.s32 $0x1, s20  }
0x174: {  	p0 =	sne.s32 s20, s28  }
.Ltmp16:
0x175: {  	_ = 	snop;
	(pc) =	sbr.rel @p0 .LBB2_1-.Ltmp16, $4  }
0x176: {  	[hbm4b:s26+s1] =	stream.linear.scatter [tilespmem:s31], [sflag:$0x1], $0x3000, $0x38;
	[tilespmem:$0x9000] =	vst v63  }
0x177: {  	_ =	swait.ge [sflag:s29], $0x3000  }
0x178: {  	[sflag:s29] =	ssyncset.done $0x0  }
0x179: {  	[sflag:s29] =	ssyncadd.s32 $0xFFFFD000  }
0x17a: {  	_ =	sfence.sel $0x180000  }
0x17b: {  	[bflag:$0x0] =	sbarrier.arrive $0xFFFF  }
0x17c: {  	_ =	strace $0x90000047  }
0x17d: {  	s0 =	stileid.u32;
	[bflag:$0x2] =	sbarrier.arrive $0xFFFF  }
0x17e: {  	p0 =	sne.s32 s0, $0x0;
	s0 =	rddreg [dreg:$0x3]  }
0x17f: {  	s0 =	sadd.s32 @!p0 $0x100000, s0  }
0x180: {  	[sflag:s0] =	ssyncadd.tile.s32 @!p0 $0x1;
	_ =	shalt  }
.Lfunc_end2:
_tile_overlayer_lowered:
.L_overlay_start_2:
0x181: {  	(tag) =	ssettag $0x2  }
0x182: {  	s0 =	rddreg [dreg:$0x0];
	s2 =	stileid.u32  }
0x183: {  	s1 =	rddreg [dreg:$0x1];
	p0 =	sne.s32 s2, $0x0  }
0x184: {  	s3 =	rddreg [dreg:$0x2];
	[bflag:$0x3] =	sbarrier.arrive $0xFFFF;
	s2 =	simm.s32 @!p0 $0x1C01  }
0x185: {  	[timem:s3], [sflag:s2] =	dma.local @!p0 [hbm:s0], s1  }
0x186: {  	s0 =	simm.s32 @!p0 $0x1  }
0x187: {  	_ =	swait.ge @!p0 [sflag:s0], s1  }
0x188: {  	s1 =	ssub.s32 @!p0 $0x0, s1;
	[sflag:s0] =	ssyncset.done @!p0 $0x0  }
0x189: {  	[sflag:s0] =	ssyncadd.s32 @!p0 s1  }
0x18a: {  	[bflag:$0x3] =	sbarrier.arrive $0xFFFF  }
0x18b: {  	_ =	shalt  }

</sc_bundles>
